<compile_context>
chip_gen: v7x
topology: tpu7x:2x2x1
jax: 0.10.2.dev20260603
libtpu: 0.0.44.dev20260713+nightly
codegen_flags: <defaults>
</compile_context>

<pallas_src>
import jax
import jax.numpy as jnp
from jax import lax
from jax.experimental import pallas as pl
from jax.experimental.pallas import tpu as pltpu
from jax.experimental.pallas import tpu_sc as plsc
import functools

IDX_W = 128
NB = 512
NJ = NB // IDX_W


def _make_lookup(B, H, D):
    mesh = plsc.VectorSubcoreMesh(core_axis_name="c", subcore_axis_name="s")
    nc = mesh.num_cores
    g_dim = D // 8
    inner = (B // IDX_W) * 8 * IDX_W
    blk = NJ * 8 * IDX_W

    @functools.partial(
        pl.kernel,
        out_type=jax.ShapeDtypeStruct((H, g_dim, inner), jnp.float32),
        mesh=mesh,
        scratch_types=[
            pltpu.VMEM((H, NB), jnp.int32),
            pltpu.VMEM((NB, D), jnp.float32),
            pltpu.VMEM((NB, D), jnp.float32),
            pltpu.VMEM((g_dim, blk), jnp.float32),
            pltpu.VMEM((g_dim, blk), jnp.float32),
            pltpu.SemaphoreType.DMA,
            pltpu.SemaphoreType.DMA,
            pltpu.SemaphoreType.DMA,
            pltpu.SemaphoreType.DMA,
        ],
        compiler_params=pltpu.CompilerParams(
            use_tc_tiling_on_sc=False,
            needs_layout_passes=False,
            disable_bounds_checks=True,
        ),
    )
    def lookup(tid_hbm, table_hbm, out_hbm, idxv, rows0, rows1, st0, st1,
               gsem0, gsem1, wsem0, wsem1):
        wid = lax.axis_index("s") * nc + lax.axis_index("c")
        b0 = wid * NB
        f0 = wid * blk
        i16 = lax.iota(jnp.int32, 16)

        pltpu.sync_copy(tid_hbm.at[:, pl.ds(b0, NB)], idxv)

        def fire(h, rows, sem):
            return [
                pltpu.async_copy(
                    table_hbm.at[idxv.at[h, pl.ds(j * IDX_W, IDX_W)]],
                    rows.at[pl.ds(j * IDX_W, IDX_W)],
                    sem,
                )
                for j in range(NJ)
            ]

        def transpose(rows, st):
            rowv = i16 >> 3
            colp = (i16 & 7) << 7
            @pl.loop(0, NB, unroll=8)
            def _(r):
                cbase = ((r >> 7) << 10) + (r & 127)
                colv = colp + jnp.broadcast_to(cbase, (16,))
                v_lo = rows[r, pl.ds(0, 16)]
                v_hi = rows[r, pl.ds(16, 16)]
                plsc.store_scatter(st, [rowv, colv], v_lo)
                plsc.store_scatter(st, [rowv + 2, colv], v_hi)

        def writeback(h, st, sem):
            for g_ in range(g_dim):
                pltpu.async_copy(
                    st.at[g_], out_hbm.at[h, g_, pl.ds(f0, blk)], sem
                )

        def drain_wb(st, sem):
            pltpu.make_async_copy(st, out_hbm.at[0, :, pl.ds(f0, blk)], sem).wait()

        @pl.loop(0, H, step=2)
        def _(g):
            c0 = fire(g, rows0, gsem0)
            @pl.when(g > 2)
            def _():
                drain_wb(st1, wsem1)
            @pl.when(g > 0)
            def _():
                transpose(rows1, st1)
                writeback(g - 1, st1, wsem1)
            for c in c0:
                c.wait()
            c1 = fire(g + 1, rows1, gsem1)
            @pl.when(g > 0)
            def _():
                drain_wb(st0, wsem0)
            transpose(rows0, st0)
            writeback(g, st0, wsem0)
            for c in c1:
                c.wait()

        drain_wb(st1, wsem1)
        transpose(rows1, st1)
        writeback(H - 1, st1, wsem1)
        drain_wb(st0, wsem0)
        drain_wb(st1, wsem1)

    return lookup


def kernel(token_ids, weight):
    B, H = token_ids.shape
    V, D = weight.shape
    tid_t = token_ids.astype(jnp.int32).T
    o = _make_lookup(B, H, D)(tid_t, weight)
    o5 = o.reshape(H, D // 8, B // IDX_W, 8, IDX_W)
    t1 = jnp.transpose(o5, (2, 4, 0, 1, 3))
    return t1.reshape(B, H, D)

# --- scband reference (transcript-rebuilt; emitter-appended) ---
"""Pipeline reference for scband-embedding-48404281426506 (READ-ONLY COPY).

The authoritative reference and input builder live on the scoring server;
editing this copy changes nothing except your own understanding.
"""

import jax, jax.numpy as jnp
import numpy as np

NUM_EMBEDDINGS = 1000000
EMBEDDING_DIM = 32
BATCH = 16384
HIST = 50

def _trunc_normal(key, shape, mean=0.0, std=1.0, a=-3.0, b=3.0):
    u = jax.random.truncated_normal(key, a, b, shape, dtype=jnp.float32)
    return u * std + mean

def setup_inputs(seed: int = 0) -> dict:
    key = jax.random.key(seed)
    k_idx, k_w = jax.random.split(key)
    token_ids = jax.random.randint(k_idx, (BATCH, HIST), 0, NUM_EMBEDDINGS, dtype=jnp.int64 if jax.config.jax_enable_x64 else jnp.int32)
    weight = _trunc_normal(k_w, (NUM_EMBEDDINGS, EMBEDDING_DIM))
    return {"token_ids": token_ids, "weight": weight}

def reference(token_ids, weight):
    # Faithful translation of: return self.weight[token_ids]
    return jnp.take(weight, token_ids, axis=0)

if __name__ == "__main__":
    import jax
    _d = setup_inputs()
    print(jax.jit(kernel)(*tuple(_d.values())))

</pallas_src>

<mosaic_0001>
#map = affine_map<(d0, d1) -> (0, 0)>
#map1 = affine_map<(d0, d1) -> (0, 0, 0)>
module attributes {stable_mosaic.version = 14 : i64} {
  func.func @lookup(%arg0: i32, %arg1: i32, %arg2: memref<50x16384xi32, #tpu.memory_space<hbm>>, %arg3: memref<1000000x32xf32, #tpu.memory_space<hbm>>, %arg4: memref<50x4x131072xf32, #tpu.memory_space<hbm>>, %arg5: memref<50x512xi32, #tpu.memory_space<vmem>>, %arg6: memref<512x32xf32, #tpu.memory_space<vmem>>, %arg7: memref<512x32xf32, #tpu.memory_space<vmem>>, %arg8: memref<4x4096xf32, #tpu.memory_space<vmem>>, %arg9: memref<4x4096xf32, #tpu.memory_space<vmem>>, %arg10: memref<!tpu.dma_semaphore, #tpu.memory_space<semaphore_mem>>, %arg11: memref<!tpu.dma_semaphore, #tpu.memory_space<semaphore_mem>>, %arg12: memref<!tpu.dma_semaphore, #tpu.memory_space<semaphore_mem>>, %arg13: memref<!tpu.dma_semaphore, #tpu.memory_space<semaphore_mem>>) attributes {dimension_semantics = [#tpu.dimension_semantics<core_parallel>, #tpu.dimension_semantics<subcore_parallel>], iteration_bounds = array<i64: 2, 16>, scalar_prefetch = 0 : i64, scratch_operands = 9 : i64, tpu.core_type = #tpu.core_type<sc_vector_subcore>, window_params = [{transform_indices = #map}, {transform_indices = #map}, {transform_indices = #map1}]} {
    %mul3A = arith.constant 2 : i32
    %mul3A_0 = arith.muli %arg1, %mul3A : i32
    %add3A = arith.addi %mul3A_0, %arg0 : i32
    %mul3A_1 = arith.constant 512 : i32
    %mul3A_2 = arith.muli %add3A, %mul3A_1 : i32
    %mul3A_3 = arith.constant 4096 : i32
    %mul3A_4 = arith.muli %add3A, %mul3A_3 : i32
    %iota3A = tpu.iota {dimensions = array<i32: 0>} : vector<16xi32>
    "tpu.region"() ({
      %run_scoped3A = tpu.sem_alloc : memref<!tpu.dma_semaphore, #tpu.memory_space<semaphore_mem>>
      %dma_start3A_91 = arith.constant 0 : i32
      %dma_start3A_92 = tpu.memref_slice %arg2[%dma_start3A_91, %mul3A_2] : memref<50x16384xi32, #tpu.memory_space<hbm>> -> memref<50x512xi32, #tpu.memory_space<hbm>>
      %dma_start3A_93 = arith.constant 0 : i32
      %dma_start3A_94 = tpu.memref_slice %arg2[%dma_start3A_93, %mul3A_2] : memref<50x16384xi32, #tpu.memory_space<hbm>> -> memref<50x512xi32, #tpu.memory_space<hbm>>
      tpu.enqueue_dma source(%dma_start3A_94 : memref<50x512xi32, #tpu.memory_space<hbm>>) target(%arg5 : memref<50x512xi32, #tpu.memory_space<vmem>>) target_semaphore(%run_scoped3A : memref<!tpu.dma_semaphore, #tpu.memory_space<semaphore_mem>>)
      %dma_wait3A_95 = arith.constant 0 : i32
      %dma_wait3A_96 = tpu.memref_slice %arg2[%dma_wait3A_95, %mul3A_2] : memref<50x16384xi32, #tpu.memory_space<hbm>> -> memref<50x512xi32, #tpu.memory_space<hbm>>
      %dma_wait3A_97 = arith.constant 0 : i32
      %dma_wait3A_98 = tpu.memref_slice %arg2[%dma_wait3A_97, %mul3A_2] : memref<50x16384xi32, #tpu.memory_space<hbm>> -> memref<50x512xi32, #tpu.memory_space<hbm>>
      tpu.wait_dma2 semaphore(%run_scoped3A : memref<!tpu.dma_semaphore, #tpu.memory_space<semaphore_mem>>) src(%dma_wait3A_98 : memref<50x512xi32, #tpu.memory_space<hbm>>) dst(%arg5 : memref<50x512xi32, #tpu.memory_space<vmem>>)
      tpu.yield
    }) : () -> ()
    %scan3A = arith.constant 0 : i32
    %scan3A_5 = arith.constant 25 : i32
    %scan3A_6 = arith.addi %scan3A, %scan3A_5 : i32
    %scan3A_7 = arith.constant 1 : i32
    scf.for %scan3A_91 = %scan3A to %scan3A_6 step %scan3A_7  : i32 {
      %mul3A_92 = arith.constant 2 : i32
      %mul3A_93 = arith.muli %scan3A_91, %mul3A_92 : i32
      %add3A_94 = arith.constant 0 : i32
      %add3A_95 = arith.addi %add3A_94, %mul3A_93 : i32
      %dma_start3A_96 = arith.constant 0 : i32
      %dma_start3A_97 = arith.constant 0 : i32
      %dma_start3A_98 = tpu.memref_slice %arg6[%dma_start3A_96, %dma_start3A_97] : memref<512x32xf32, #tpu.memory_space<vmem>> -> memref<128x32xf32, #tpu.memory_space<vmem>>
      %dma_start3A_99 = arith.constant 0 : i32
      %dma_start3A_100 = tpu.memref_slice %arg5[%add3A_95, %dma_start3A_99] : memref<50x512xi32, #tpu.memory_space<vmem>> -> memref<1x128xi32, #tpu.memory_space<vmem>>
      %dma_start3A_101 = tpu.memref_squeeze %dma_start3A_100 : memref<1x128xi32, #tpu.memory_space<vmem>> -> memref<128xi32, #tpu.memory_space<vmem>>
      %dma_start3A_102 = arith.constant 0 : i32
      %dma_start3A_103 = arith.constant 0 : i32
      %dma_start3A_104 = tpu.memref_slice %arg3[%dma_start3A_102, %dma_start3A_103] : memref<1000000x32xf32, #tpu.memory_space<hbm>> -> memref<1000000x32xf32, #tpu.memory_space<hbm>>
      tpu.enqueue_indirect_dma source(%dma_start3A_104 : memref<1000000x32xf32, #tpu.memory_space<hbm>>) target(%dma_start3A_98 : memref<128x32xf32, #tpu.memory_space<vmem>>) offsets(%dma_start3A_101 : memref<128xi32, #tpu.memory_space<vmem>>) semaphore(%arg10 : memref<!tpu.dma_semaphore, #tpu.memory_space<semaphore_mem>>)
      %dma_start3A_105 = arith.constant 128 : i32
      %dma_start3A_106 = arith.constant 0 : i32
      %dma_start3A_107 = tpu.memref_slice %arg6[%dma_start3A_105, %dma_start3A_106] : memref<512x32xf32, #tpu.memory_space<vmem>> -> memref<128x32xf32, #tpu.memory_space<vmem>>
      %dma_start3A_108 = arith.constant 128 : i32
      %dma_start3A_109 = tpu.memref_slice %arg5[%add3A_95, %dma_start3A_108] : memref<50x512xi32, #tpu.memory_space<vmem>> -> memref<1x128xi32, #tpu.memory_space<vmem>>
      %dma_start3A_110 = tpu.memref_squeeze %dma_start3A_109 : memref<1x128xi32, #tpu.memory_space<vmem>> -> memref<128xi32, #tpu.memory_space<vmem>>
      %dma_start3A_111 = arith.constant 0 : i32
      %dma_start3A_112 = arith.constant 0 : i32
      %dma_start3A_113 = tpu.memref_slice %arg3[%dma_start3A_111, %dma_start3A_112] : memref<1000000x32xf32, #tpu.memory_space<hbm>> -> memref<1000000x32xf32, #tpu.memory_space<hbm>>
      tpu.enqueue_indirect_dma source(%dma_start3A_113 : memref<1000000x32xf32, #tpu.memory_space<hbm>>) target(%dma_start3A_107 : memref<128x32xf32, #tpu.memory_space<vmem>>) offsets(%dma_start3A_110 : memref<128xi32, #tpu.memory_space<vmem>>) semaphore(%arg10 : memref<!tpu.dma_semaphore, #tpu.memory_space<semaphore_mem>>)
      %dma_start3A_114 = arith.constant 256 : i32
      %dma_start3A_115 = arith.constant 0 : i32
      %dma_start3A_116 = tpu.memref_slice %arg6[%dma_start3A_114, %dma_start3A_115] : memref<512x32xf32, #tpu.memory_space<vmem>> -> memref<128x32xf32, #tpu.memory_space<vmem>>
      %dma_start3A_117 = arith.constant 256 : i32
      %dma_start3A_118 = tpu.memref_slice %arg5[%add3A_95, %dma_start3A_117] : memref<50x512xi32, #tpu.memory_space<vmem>> -> memref<1x128xi32, #tpu.memory_space<vmem>>
      %dma_start3A_119 = tpu.memref_squeeze %dma_start3A_118 : memref<1x128xi32, #tpu.memory_space<vmem>> -> memref<128xi32, #tpu.memory_space<vmem>>
      %dma_start3A_120 = arith.constant 0 : i32
      %dma_start3A_121 = arith.constant 0 : i32
      %dma_start3A_122 = tpu.memref_slice %arg3[%dma_start3A_120, %dma_start3A_121] : memref<1000000x32xf32, #tpu.memory_space<hbm>> -> memref<1000000x32xf32, #tpu.memory_space<hbm>>
      tpu.enqueue_indirect_dma source(%dma_start3A_122 : memref<1000000x32xf32, #tpu.memory_space<hbm>>) target(%dma_start3A_116 : memref<128x32xf32, #tpu.memory_space<vmem>>) offsets(%dma_start3A_119 : memref<128xi32, #tpu.memory_space<vmem>>) semaphore(%arg10 : memref<!tpu.dma_semaphore, #tpu.memory_space<semaphore_mem>>)
      %dma_start3A_123 = arith.constant 384 : i32
      %dma_start3A_124 = arith.constant 0 : i32
      %dma_start3A_125 = tpu.memref_slice %arg6[%dma_start3A_123, %dma_start3A_124] : memref<512x32xf32, #tpu.memory_space<vmem>> -> memref<128x32xf32, #tpu.memory_space<vmem>>
      %dma_start3A_126 = arith.constant 384 : i32
      %dma_start3A_127 = tpu.memref_slice %arg5[%add3A_95, %dma_start3A_126] : memref<50x512xi32, #tpu.memory_space<vmem>> -> memref<1x128xi32, #tpu.memory_space<vmem>>
      %dma_start3A_128 = tpu.memref_squeeze %dma_start3A_127 : memref<1x128xi32, #tpu.memory_space<vmem>> -> memref<128xi32, #tpu.memory_space<vmem>>
      %dma_start3A_129 = arith.constant 0 : i32
      %dma_start3A_130 = arith.constant 0 : i32
      %dma_start3A_131 = tpu.memref_slice %arg3[%dma_start3A_129, %dma_start3A_130] : memref<1000000x32xf32, #tpu.memory_space<hbm>> -> memref<1000000x32xf32, #tpu.memory_space<hbm>>
      tpu.enqueue_indirect_dma source(%dma_start3A_131 : memref<1000000x32xf32, #tpu.memory_space<hbm>>) target(%dma_start3A_125 : memref<128x32xf32, #tpu.memory_space<vmem>>) offsets(%dma_start3A_128 : memref<128xi32, #tpu.memory_space<vmem>>) semaphore(%arg10 : memref<!tpu.dma_semaphore, #tpu.memory_space<semaphore_mem>>)
      %gt3A = arith.constant 2 : i32
      %gt3A_132 = arith.cmpi sgt, %add3A_95, %gt3A : i32
      %convert_element_type3A = arith.extui %gt3A_132 : i1 to i32
      %cond3A = arith.constant 0 : i32
      %cond3A_133 = arith.cmpi ne, %convert_element_type3A, %cond3A : i32
      scf.if %cond3A_133 {
        %dma_wait3A_316 = arith.constant 0 : i32
        %dma_wait3A_317 = arith.constant 0 : i32
        %dma_wait3A_318 = tpu.memref_slice %arg4[%dma_wait3A_316, %dma_wait3A_317, %mul3A_4] : memref<50x4x131072xf32, #tpu.memory_space<hbm>> -> memref<1x4x4096xf32, #tpu.memory_space<hbm>>
        %dma_wait3A_319 = tpu.memref_squeeze %dma_wait3A_318 : memref<1x4x4096xf32, #tpu.memory_space<hbm>> -> memref<4x4096xf32, #tpu.memory_space<hbm>>
        %dma_wait3A_320 = arith.constant 0 : i32
        %dma_wait3A_321 = tpu.memref_slice %arg4[%dma_wait3A_316, %dma_wait3A_320, %mul3A_4] : memref<50x4x131072xf32, #tpu.memory_space<hbm>> -> memref<1x4x4096xf32, #tpu.memory_space<hbm>>
        %dma_wait3A_322 = tpu.memref_squeeze %dma_wait3A_321 : memref<1x4x4096xf32, #tpu.memory_space<hbm>> -> memref<4x4096xf32, #tpu.memory_space<hbm>>
        tpu.wait_dma2 semaphore(%arg13 : memref<!tpu.dma_semaphore, #tpu.memory_space<semaphore_mem>>) src(%arg9 : memref<4x4096xf32, #tpu.memory_space<vmem>>) dst(%dma_wait3A_322 : memref<4x4096xf32, #tpu.memory_space<hbm>>)
      } else {
      }
      %gt3A_134 = arith.constant 0 : i32
      %gt3A_135 = arith.cmpi sgt, %add3A_95, %gt3A_134 : i32
      %convert_element_type3A_136 = arith.extui %gt3A_135 : i1 to i32
      %cond3A_137 = arith.constant 0 : i32
      %cond3A_138 = arith.cmpi ne, %convert_element_type3A_136, %cond3A_137 : i32
      scf.if %cond3A_138 {
        %shift_right_arithmetic3A_316 = arith.constant 3 : i32
        %shift_right_arithmetic3A_317 = vector.broadcast %shift_right_arithmetic3A_316 : i32 to vector<16xi32>
        %shift_right_arithmetic3A_318 = arith.shrsi %iota3A, %shift_right_arithmetic3A_317 : vector<16xi32>
        %and3A_319 = arith.constant 7 : i32
        %and3A_320 = vector.broadcast %and3A_319 : i32 to vector<16xi32>
        %and3A_321 = arith.andi %iota3A, %and3A_320 : vector<16xi32>
        %shift_left3A_322 = arith.constant 7 : i32
        %shift_left3A_323 = vector.broadcast %shift_left3A_322 : i32 to vector<16xi32>
        %shift_left3A_324 = arith.shli %and3A_321, %shift_left3A_323 : vector<16xi32>
        %scan3A_325 = arith.constant 0 : i32
        %scan3A_326 = arith.constant 512 : i32
        %scan3A_327 = arith.addi %scan3A_325, %scan3A_326 : i32
        %scan3A_328 = arith.constant 8 : i32
        scf.for %scan3A_379 = %scan3A_325 to %scan3A_327 step %scan3A_328  : i32 {
          %mul3A_380 = arith.constant 1 : i32
          %mul3A_381 = arith.muli %scan3A_379, %mul3A_380 : i32
          %add3A_382 = arith.constant 0 : i32
          %add3A_383 = arith.addi %add3A_382, %mul3A_381 : i32
          %shift_right_arithmetic3A_384 = arith.constant 7 : i32
          %shift_right_arithmetic3A_385 = arith.shrsi %add3A_383, %shift_right_arithmetic3A_384 : i32
          %shift_left3A_386 = arith.constant 10 : i32
          %shift_left3A_387 = arith.shli %shift_right_arithmetic3A_385, %shift_left3A_386 : i32
          %and3A_388 = arith.constant 127 : i32
          %and3A_389 = arith.andi %add3A_383, %and3A_388 : i32
          %add3A_390 = arith.addi %shift_left3A_387, %and3A_389 : i32
          %broadcast_in_dim3A = vector.broadcast %add3A_390 : i32 to vector<16xi32>
          %add3A_391 = arith.addi %shift_left3A_324, %broadcast_in_dim3A : vector<16xi32>
          %get3A = arith.index_cast %add3A_383 : i32 to index
          %get3A_392 = arith.constant 0 : index
          %get3A_393 = tpu.vector_load %arg7[%get3A, %get3A_392] {strides = array<i32>} : memref<512x32xf32, #tpu.memory_space<vmem>>, vector<16xf32>,
          %get3A_394 = arith.index_cast %add3A_383 : i32 to index
          %get3A_395 = arith.constant 16 : index
          %get3A_396 = tpu.vector_load %arg7[%get3A_394, %get3A_395] {strides = array<i32>} : memref<512x32xf32, #tpu.memory_space<vmem>>, vector<16xf32>,
          tpu.vector_store_idx %arg9[%shift_right_arithmetic3A_318, %add3A_391], %get3A_393 : memref<4x4096xf32, #tpu.memory_space<vmem>>[vector<16xi32>, vector<16xi32>], vector<16xf32>,
          %add3A_397 = arith.constant 2 : i32
          %add3A_398 = vector.broadcast %add3A_397 : i32 to vector<16xi32>
          %add3A_399 = arith.addi %shift_right_arithmetic3A_318, %add3A_398 : vector<16xi32>
          tpu.vector_store_idx %arg9[%add3A_399, %add3A_391], %get3A_396 : memref<4x4096xf32, #tpu.memory_space<vmem>>[vector<16xi32>, vector<16xi32>], vector<16xf32>,
          %scan3A_400 = arith.constant 1 : i32
          %scan3A_401 = arith.addi %scan3A_379, %scan3A_400 : i32
          %mul3A_402 = arith.constant 1 : i32
          %mul3A_403 = arith.muli %scan3A_401, %mul3A_402 : i32
          %add3A_404 = arith.constant 0 : i32
          %add3A_405 = arith.addi %add3A_404, %mul3A_403 : i32
          %shift_right_arithmetic3A_406 = arith.constant 7 : i32
          %shift_right_arithmetic3A_407 = arith.shrsi %add3A_405, %shift_right_arithmetic3A_406 : i32
          %shift_left3A_408 = arith.constant 10 : i32
          %shift_left3A_409 = arith.shli %shift_right_arithmetic3A_407, %shift_left3A_408 : i32
          %and3A_410 = arith.constant 127 : i32
          %and3A_411 = arith.andi %add3A_405, %and3A_410 : i32
          %add3A_412 = arith.addi %shift_left3A_409, %and3A_411 : i32
          %broadcast_in_dim3A_413 = vector.broadcast %add3A_412 : i32 to vector<16xi32>
          %add3A_414 = arith.addi %shift_left3A_324, %broadcast_in_dim3A_413 : vector<16xi32>
          %get3A_415 = arith.index_cast %add3A_405 : i32 to index
          %get3A_416 = arith.constant 0 : index
          %get3A_417 = tpu.vector_load %arg7[%get3A_415, %get3A_416] {strides = array<i32>} : memref<512x32xf32, #tpu.memory_space<vmem>>, vector<16xf32>,
          %get3A_418 = arith.index_cast %add3A_405 : i32 to index
          %get3A_419 = arith.constant 16 : index
          %get3A_420 = tpu.vector_load %arg7[%get3A_418, %get3A_419] {strides = array<i32>} : memref<512x32xf32, #tpu.memory_space<vmem>>, vector<16xf32>,
          tpu.vector_store_idx %arg9[%shift_right_arithmetic3A_318, %add3A_414], %get3A_417 : memref<4x4096xf32, #tpu.memory_space<vmem>>[vector<16xi32>, vector<16xi32>], vector<16xf32>,
          %add3A_421 = arith.constant 2 : i32
          %add3A_422 = vector.broadcast %add3A_421 : i32 to vector<16xi32>
          %add3A_423 = arith.addi %shift_right_arithmetic3A_318, %add3A_422 : vector<16xi32>
          tpu.vector_store_idx %arg9[%add3A_423, %add3A_414], %get3A_420 : memref<4x4096xf32, #tpu.memory_space<vmem>>[vector<16xi32>, vector<16xi32>], vector<16xf32>,
          %scan3A_424 = arith.constant 2 : i32
          %scan3A_425 = arith.addi %scan3A_379, %scan3A_424 : i32
          %mul3A_426 = arith.constant 1 : i32
          %mul3A_427 = arith.muli %scan3A_425, %mul3A_426 : i32
          %add3A_428 = arith.constant 0 : i32
          %add3A_429 = arith.addi %add3A_428, %mul3A_427 : i32
          %shift_right_arithmetic3A_430 = arith.constant 7 : i32
          %shift_right_arithmetic3A_431 = arith.shrsi %add3A_429, %shift_right_arithmetic3A_430 : i32
          %shift_left3A_432 = arith.constant 10 : i32
          %shift_left3A_433 = arith.shli %shift_right_arithmetic3A_431, %shift_left3A_432 : i32
          %and3A_434 = arith.constant 127 : i32
          %and3A_435 = arith.andi %add3A_429, %and3A_434 : i32
          %add3A_436 = arith.addi %shift_left3A_433, %and3A_435 : i32
          %broadcast_in_dim3A_437 = vector.broadcast %add3A_436 : i32 to vector<16xi32>
          %add3A_438 = arith.addi %shift_left3A_324, %broadcast_in_dim3A_437 : vector<16xi32>
          %get3A_439 = arith.index_cast %add3A_429 : i32 to index
          %get3A_440 = arith.constant 0 : index
          %get3A_441 = tpu.vector_load %arg7[%get3A_439, %get3A_440] {strides = array<i32>} : memref<512x32xf32, #tpu.memory_space<vmem>>, vector<16xf32>,
          %get3A_442 = arith.index_cast %add3A_429 : i32 to index
          %get3A_443 = arith.constant 16 : index
          %get3A_444 = tpu.vector_load %arg7[%get3A_442, %get3A_443] {strides = array<i32>} : memref<512x32xf32, #tpu.memory_space<vmem>>, vector<16xf32>,
          tpu.vector_store_idx %arg9[%shift_right_arithmetic3A_318, %add3A_438], %get3A_441 : memref<4x4096xf32, #tpu.memory_space<vmem>>[vector<16xi32>, vector<16xi32>], vector<16xf32>,
          %add3A_445 = arith.constant 2 : i32
          %add3A_446 = vector.broadcast %add3A_445 : i32 to vector<16xi32>
          %add3A_447 = arith.addi %shift_right_arithmetic3A_318, %add3A_446 : vector<16xi32>
          tpu.vector_store_idx %arg9[%add3A_447, %add3A_438], %get3A_444 : memref<4x4096xf32, #tpu.memory_space<vmem>>[vector<16xi32>, vector<16xi32>], vector<16xf32>,
          %scan3A_448 = arith.constant 3 : i32
          %scan3A_449 = arith.addi %scan3A_379, %scan3A_448 : i32
          %mul3A_450 = arith.constant 1 : i32
          %mul3A_451 = arith.muli %scan3A_449, %mul3A_450 : i32
          %add3A_452 = arith.constant 0 : i32
          %add3A_453 = arith.addi %add3A_452, %mul3A_451 : i32
          %shift_right_arithmetic3A_454 = arith.constant 7 : i32
          %shift_right_arithmetic3A_455 = arith.shrsi %add3A_453, %shift_right_arithmetic3A_454 : i32
          %shift_left3A_456 = arith.constant 10 : i32
          %shift_left3A_457 = arith.shli %shift_right_arithmetic3A_455, %shift_left3A_456 : i32
          %and3A_458 = arith.constant 127 : i32
          %and3A_459 = arith.andi %add3A_453, %and3A_458 : i32
          %add3A_460 = arith.addi %shift_left3A_457, %and3A_459 : i32
          %broadcast_in_dim3A_461 = vector.broadcast %add3A_460 : i32 to vector<16xi32>
          %add3A_462 = arith.addi %shift_left3A_324, %broadcast_in_dim3A_461 : vector<16xi32>
          %get3A_463 = arith.index_cast %add3A_453 : i32 to index
          %get3A_464 = arith.constant 0 : index
          %get3A_465 = tpu.vector_load %arg7[%get3A_463, %get3A_464] {strides = array<i32>} : memref<512x32xf32, #tpu.memory_space<vmem>>, vector<16xf32>,
          %get3A_466 = arith.index_cast %add3A_453 : i32 to index
          %get3A_467 = arith.constant 16 : index
          %get3A_468 = tpu.vector_load %arg7[%get3A_466, %get3A_467] {strides = array<i32>} : memref<512x32xf32, #tpu.memory_space<vmem>>, vector<16xf32>,
          tpu.vector_store_idx %arg9[%shift_right_arithmetic3A_318, %add3A_462], %get3A_465 : memref<4x4096xf32, #tpu.memory_space<vmem>>[vector<16xi32>, vector<16xi32>], vector<16xf32>,
          %add3A_469 = arith.constant 2 : i32
          %add3A_470 = vector.broadcast %add3A_469 : i32 to vector<16xi32>
          %add3A_471 = arith.addi %shift_right_arithmetic3A_318, %add3A_470 : vector<16xi32>
          tpu.vector_store_idx %arg9[%add3A_471, %add3A_462], %get3A_468 : memref<4x4096xf32, #tpu.memory_space<vmem>>[vector<16xi32>, vector<16xi32>], vector<16xf32>,
          %scan3A_472 = arith.constant 4 : i32
          %scan3A_473 = arith.addi %scan3A_379, %scan3A_472 : i32
          %mul3A_474 = arith.constant 1 : i32
          %mul3A_475 = arith.muli %scan3A_473, %mul3A_474 : i32
          %add3A_476 = arith.constant 0 : i32
          %add3A_477 = arith.addi %add3A_476, %mul3A_475 : i32
          %shift_right_arithmetic3A_478 = arith.constant 7 : i32
          %shift_right_arithmetic3A_479 = arith.shrsi %add3A_477, %shift_right_arithmetic3A_478 : i32
          %shift_left3A_480 = arith.constant 10 : i32
          %shift_left3A_481 = arith.shli %shift_right_arithmetic3A_479, %shift_left3A_480 : i32
          %and3A_482 = arith.constant 127 : i32
          %and3A_483 = arith.andi %add3A_477, %and3A_482 : i32
          %add3A_484 = arith.addi %shift_left3A_481, %and3A_483 : i32
          %broadcast_in_dim3A_485 = vector.broadcast %add3A_484 : i32 to vector<16xi32>
          %add3A_486 = arith.addi %shift_left3A_324, %broadcast_in_dim3A_485 : vector<16xi32>
          %get3A_487 = arith.index_cast %add3A_477 : i32 to index
          %get3A_488 = arith.constant 0 : index
          %get3A_489 = tpu.vector_load %arg7[%get3A_487, %get3A_488] {strides = array<i32>} : memref<512x32xf32, #tpu.memory_space<vmem>>, vector<16xf32>,
          %get3A_490 = arith.index_cast %add3A_477 : i32 to index
          %get3A_491 = arith.constant 16 : index
          %get3A_492 = tpu.vector_load %arg7[%get3A_490, %get3A_491] {strides = array<i32>} : memref<512x32xf32, #tpu.memory_space<vmem>>, vector<16xf32>,
          tpu.vector_store_idx %arg9[%shift_right_arithmetic3A_318, %add3A_486], %get3A_489 : memref<4x4096xf32, #tpu.memory_space<vmem>>[vector<16xi32>, vector<16xi32>], vector<16xf32>,
          %add3A_493 = arith.constant 2 : i32
          %add3A_494 = vector.broadcast %add3A_493 : i32 to vector<16xi32>
          %add3A_495 = arith.addi %shift_right_arithmetic3A_318, %add3A_494 : vector<16xi32>
          tpu.vector_store_idx %arg9[%add3A_495, %add3A_486], %get3A_492 : memref<4x4096xf32, #tpu.memory_space<vmem>>[vector<16xi32>, vector<16xi32>], vector<16xf32>,
          %scan3A_496 = arith.constant 5 : i32
          %scan3A_497 = arith.addi %scan3A_379, %scan3A_496 : i32
          %mul3A_498 = arith.constant 1 : i32
          %mul3A_499 = arith.muli %scan3A_497, %mul3A_498 : i32
          %add3A_500 = arith.constant 0 : i32
          %add3A_501 = arith.addi %add3A_500, %mul3A_499 : i32
          %shift_right_arithmetic3A_502 = arith.constant 7 : i32
          %shift_right_arithmetic3A_503 = arith.shrsi %add3A_501, %shift_right_arithmetic3A_502 : i32
          %shift_left3A_504 = arith.constant 10 : i32
          %shift_left3A_505 = arith.shli %shift_right_arithmetic3A_503, %shift_left3A_504 : i32
          %and3A_506 = arith.constant 127 : i32
          %and3A_507 = arith.andi %add3A_501, %and3A_506 : i32
          %add3A_508 = arith.addi %shift_left3A_505, %and3A_507 : i32
          %broadcast_in_dim3A_509 = vector.broadcast %add3A_508 : i32 to vector<16xi32>
          %add3A_510 = arith.addi %shift_left3A_324, %broadcast_in_dim3A_509 : vector<16xi32>
          %get3A_511 = arith.index_cast %add3A_501 : i32 to index
          %get3A_512 = arith.constant 0 : index
          %get3A_513 = tpu.vector_load %arg7[%get3A_511, %get3A_512] {strides = array<i32>} : memref<512x32xf32, #tpu.memory_space<vmem>>, vector<16xf32>,
          %get3A_514 = arith.index_cast %add3A_501 : i32 to index
          %get3A_515 = arith.constant 16 : index
          %get3A_516 = tpu.vector_load %arg7[%get3A_514, %get3A_515] {strides = array<i32>} : memref<512x32xf32, #tpu.memory_space<vmem>>, vector<16xf32>,
          tpu.vector_store_idx %arg9[%shift_right_arithmetic3A_318, %add3A_510], %get3A_513 : memref<4x4096xf32, #tpu.memory_space<vmem>>[vector<16xi32>, vector<16xi32>], vector<16xf32>,
          %add3A_517 = arith.constant 2 : i32
          %add3A_518 = vector.broadcast %add3A_517 : i32 to vector<16xi32>
          %add3A_519 = arith.addi %shift_right_arithmetic3A_318, %add3A_518 : vector<16xi32>
          tpu.vector_store_idx %arg9[%add3A_519, %add3A_510], %get3A_516 : memref<4x4096xf32, #tpu.memory_space<vmem>>[vector<16xi32>, vector<16xi32>], vector<16xf32>,
          %scan3A_520 = arith.constant 6 : i32
          %scan3A_521 = arith.addi %scan3A_379, %scan3A_520 : i32
          %mul3A_522 = arith.constant 1 : i32
          %mul3A_523 = arith.muli %scan3A_521, %mul3A_522 : i32
          %add3A_524 = arith.constant 0 : i32
          %add3A_525 = arith.addi %add3A_524, %mul3A_523 : i32
          %shift_right_arithmetic3A_526 = arith.constant 7 : i32
          %shift_right_arithmetic3A_527 = arith.shrsi %add3A_525, %shift_right_arithmetic3A_526 : i32
          %shift_left3A_528 = arith.constant 10 : i32
          %shift_left3A_529 = arith.shli %shift_right_arithmetic3A_527, %shift_left3A_528 : i32
          %and3A_530 = arith.constant 127 : i32
          %and3A_531 = arith.andi %add3A_525, %and3A_530 : i32
          %add3A_532 = arith.addi %shift_left3A_529, %and3A_531 : i32
          %broadcast_in_dim3A_533 = vector.broadcast %add3A_532 : i32 to vector<16xi32>
          %add3A_534 = arith.addi %shift_left3A_324, %broadcast_in_dim3A_533 : vector<16xi32>
          %get3A_535 = arith.index_cast %add3A_525 : i32 to index
          %get3A_536 = arith.constant 0 : index
          %get3A_537 = tpu.vector_load %arg7[%get3A_535, %get3A_536] {strides = array<i32>} : memref<512x32xf32, #tpu.memory_space<vmem>>, vector<16xf32>,
          %get3A_538 = arith.index_cast %add3A_525 : i32 to index
          %get3A_539 = arith.constant 16 : index
          %get3A_540 = tpu.vector_load %arg7[%get3A_538, %get3A_539] {strides = array<i32>} : memref<512x32xf32, #tpu.memory_space<vmem>>, vector<16xf32>,
          tpu.vector_store_idx %arg9[%shift_right_arithmetic3A_318, %add3A_534], %get3A_537 : memref<4x4096xf32, #tpu.memory_space<vmem>>[vector<16xi32>, vector<16xi32>], vector<16xf32>,
          %add3A_541 = arith.constant 2 : i32
          %add3A_542 = vector.broadcast %add3A_541 : i32 to vector<16xi32>
          %add3A_543 = arith.addi %shift_right_arithmetic3A_318, %add3A_542 : vector<16xi32>
          tpu.vector_store_idx %arg9[%add3A_543, %add3A_534], %get3A_540 : memref<4x4096xf32, #tpu.memory_space<vmem>>[vector<16xi32>, vector<16xi32>], vector<16xf32>,
          %scan3A_544 = arith.constant 7 : i32
          %scan3A_545 = arith.addi %scan3A_379, %scan3A_544 : i32
          %mul3A_546 = arith.constant 1 : i32
          %mul3A_547 = arith.muli %scan3A_545, %mul3A_546 : i32
          %add3A_548 = arith.constant 0 : i32
          %add3A_549 = arith.addi %add3A_548, %mul3A_547 : i32
          %shift_right_arithmetic3A_550 = arith.constant 7 : i32
          %shift_right_arithmetic3A_551 = arith.shrsi %add3A_549, %shift_right_arithmetic3A_550 : i32
          %shift_left3A_552 = arith.constant 10 : i32
          %shift_left3A_553 = arith.shli %shift_right_arithmetic3A_551, %shift_left3A_552 : i32
          %and3A_554 = arith.constant 127 : i32
          %and3A_555 = arith.andi %add3A_549, %and3A_554 : i32
          %add3A_556 = arith.addi %shift_left3A_553, %and3A_555 : i32
          %broadcast_in_dim3A_557 = vector.broadcast %add3A_556 : i32 to vector<16xi32>
          %add3A_558 = arith.addi %shift_left3A_324, %broadcast_in_dim3A_557 : vector<16xi32>
          %get3A_559 = arith.index_cast %add3A_549 : i32 to index
          %get3A_560 = arith.constant 0 : index
          %get3A_561 = tpu.vector_load %arg7[%get3A_559, %get3A_560] {strides = array<i32>} : memref<512x32xf32, #tpu.memory_space<vmem>>, vector<16xf32>,
          %get3A_562 = arith.index_cast %add3A_549 : i32 to index
          %get3A_563 = arith.constant 16 : index
          %get3A_564 = tpu.vector_load %arg7[%get3A_562, %get3A_563] {strides = array<i32>} : memref<512x32xf32, #tpu.memory_space<vmem>>, vector<16xf32>,
          tpu.vector_store_idx %arg9[%shift_right_arithmetic3A_318, %add3A_558], %get3A_561 : memref<4x4096xf32, #tpu.memory_space<vmem>>[vector<16xi32>, vector<16xi32>], vector<16xf32>,
          %add3A_565 = arith.constant 2 : i32
          %add3A_566 = vector.broadcast %add3A_565 : i32 to vector<16xi32>
          %add3A_567 = arith.addi %shift_right_arithmetic3A_318, %add3A_566 : vector<16xi32>
          tpu.vector_store_idx %arg9[%add3A_567, %add3A_558], %get3A_564 : memref<4x4096xf32, #tpu.memory_space<vmem>>[vector<16xi32>, vector<16xi32>], vector<16xf32>,
        }
        %scan3A_329 = arith.constant 512 : i32
        %sub3A = arith.constant 1 : i32
        %sub3A_330 = arith.subi %add3A_95, %sub3A : i32
        %dma_start3A_331 = arith.constant 0 : i32
        %dma_start3A_332 = arith.constant 0 : i32
        %dma_start3A_333 = arith.constant 0 : i32
        %dma_start3A_334 = tpu.memref_slice %arg9[%dma_start3A_331, %dma_start3A_333] : memref<4x4096xf32, #tpu.memory_space<vmem>> -> memref<1x4096xf32, #tpu.memory_space<vmem>>
        %dma_start3A_335 = tpu.memref_squeeze %dma_start3A_334 : memref<1x4096xf32, #tpu.memory_space<vmem>> -> memref<4096xf32, #tpu.memory_space<vmem>>
        %dma_start3A_336 = tpu.memref_slice %arg4[%sub3A_330, %dma_start3A_332, %mul3A_4] : memref<50x4x131072xf32, #tpu.memory_space<hbm>> -> memref<1x1x4096xf32, #tpu.memory_space<hbm>>
        %dma_start3A_337 = tpu.memref_squeeze %dma_start3A_336 : memref<1x1x4096xf32, #tpu.memory_space<hbm>> -> memref<4096xf32, #tpu.memory_space<hbm>>
        %dma_start3A_338 = tpu.memref_slice %arg4[%sub3A_330, %dma_start3A_332, %mul3A_4] : memref<50x4x131072xf32, #tpu.memory_space<hbm>> -> memref<1x1x4096xf32, #tpu.memory_space<hbm>>
        %dma_start3A_339 = tpu.memref_squeeze %dma_start3A_338 : memref<1x1x4096xf32, #tpu.memory_space<hbm>> -> memref<4096xf32, #tpu.memory_space<hbm>>
        %dma_start3A_340 = arith.constant 0 : i32
        %dma_start3A_341 = tpu.memref_slice %arg9[%dma_start3A_331, %dma_start3A_340] : memref<4x4096xf32, #tpu.memory_space<vmem>> -> memref<1x4096xf32, #tpu.memory_space<vmem>>
        %dma_start3A_342 = tpu.memref_squeeze %dma_start3A_341 : memref<1x4096xf32, #tpu.memory_space<vmem>> -> memref<4096xf32, #tpu.memory_space<vmem>>
        tpu.enqueue_dma source(%dma_start3A_342 : memref<4096xf32, #tpu.memory_space<vmem>>) target(%dma_start3A_339 : memref<4096xf32, #tpu.memory_space<hbm>>) target_semaphore(%arg13 : memref<!tpu.dma_semaphore, #tpu.memory_space<semaphore_mem>>)
        %dma_start3A_343 = arith.constant 1 : i32
        %dma_start3A_344 = arith.constant 1 : i32
        %dma_start3A_345 = arith.constant 0 : i32
        %dma_start3A_346 = tpu.memref_slice %arg9[%dma_start3A_343, %dma_start3A_345] : memref<4x4096xf32, #tpu.memory_space<vmem>> -> memref<1x4096xf32, #tpu.memory_space<vmem>>
        %dma_start3A_347 = tpu.memref_squeeze %dma_start3A_346 : memref<1x4096xf32, #tpu.memory_space<vmem>> -> memref<4096xf32, #tpu.memory_space<vmem>>
        %dma_start3A_348 = tpu.memref_slice %arg4[%sub3A_330, %dma_start3A_344, %mul3A_4] : memref<50x4x131072xf32, #tpu.memory_space<hbm>> -> memref<1x1x4096xf32, #tpu.memory_space<hbm>>
        %dma_start3A_349 = tpu.memref_squeeze %dma_start3A_348 : memref<1x1x4096xf32, #tpu.memory_space<hbm>> -> memref<4096xf32, #tpu.memory_space<hbm>>
        %dma_start3A_350 = tpu.memref_slice %arg4[%sub3A_330, %dma_start3A_344, %mul3A_4] : memref<50x4x131072xf32, #tpu.memory_space<hbm>> -> memref<1x1x4096xf32, #tpu.memory_space<hbm>>
        %dma_start3A_351 = tpu.memref_squeeze %dma_start3A_350 : memref<1x1x4096xf32, #tpu.memory_space<hbm>> -> memref<4096xf32, #tpu.memory_space<hbm>>
        %dma_start3A_352 = arith.constant 0 : i32
        %dma_start3A_353 = tpu.memref_slice %arg9[%dma_start3A_343, %dma_start3A_352] : memref<4x4096xf32, #tpu.memory_space<vmem>> -> memref<1x4096xf32, #tpu.memory_space<vmem>>
        %dma_start3A_354 = tpu.memref_squeeze %dma_start3A_353 : memref<1x4096xf32, #tpu.memory_space<vmem>> -> memref<4096xf32, #tpu.memory_space<vmem>>
        tpu.enqueue_dma source(%dma_start3A_354 : memref<4096xf32, #tpu.memory_space<vmem>>) target(%dma_start3A_351 : memref<4096xf32, #tpu.memory_space<hbm>>) target_semaphore(%arg13 : memref<!tpu.dma_semaphore, #tpu.memory_space<semaphore_mem>>)
        %dma_start3A_355 = arith.constant 2 : i32
        %dma_start3A_356 = arith.constant 2 : i32
        %dma_start3A_357 = arith.constant 0 : i32
        %dma_start3A_358 = tpu.memref_slice %arg9[%dma_start3A_355, %dma_start3A_357] : memref<4x4096xf32, #tpu.memory_space<vmem>> -> memref<1x4096xf32, #tpu.memory_space<vmem>>
        %dma_start3A_359 = tpu.memref_squeeze %dma_start3A_358 : memref<1x4096xf32, #tpu.memory_space<vmem>> -> memref<4096xf32, #tpu.memory_space<vmem>>
        %dma_start3A_360 = tpu.memref_slice %arg4[%sub3A_330, %dma_start3A_356, %mul3A_4] : memref<50x4x131072xf32, #tpu.memory_space<hbm>> -> memref<1x1x4096xf32, #tpu.memory_space<hbm>>
        %dma_start3A_361 = tpu.memref_squeeze %dma_start3A_360 : memref<1x1x4096xf32, #tpu.memory_space<hbm>> -> memref<4096xf32, #tpu.memory_space<hbm>>
        %dma_start3A_362 = tpu.memref_slice %arg4[%sub3A_330, %dma_start3A_356, %mul3A_4] : memref<50x4x131072xf32, #tpu.memory_space<hbm>> -> memref<1x1x4096xf32, #tpu.memory_space<hbm>>
        %dma_start3A_363 = tpu.memref_squeeze %dma_start3A_362 : memref<1x1x4096xf32, #tpu.memory_space<hbm>> -> memref<4096xf32, #tpu.memory_space<hbm>>
        %dma_start3A_364 = arith.constant 0 : i32
        %dma_start3A_365 = tpu.memref_slice %arg9[%dma_start3A_355, %dma_start3A_364] : memref<4x4096xf32, #tpu.memory_space<vmem>> -> memref<1x4096xf32, #tpu.memory_space<vmem>>
        %dma_start3A_366 = tpu.memref_squeeze %dma_start3A_365 : memref<1x4096xf32, #tpu.memory_space<vmem>> -> memref<4096xf32, #tpu.memory_space<vmem>>
        tpu.enqueue_dma source(%dma_start3A_366 : memref<4096xf32, #tpu.memory_space<vmem>>) target(%dma_start3A_363 : memref<4096xf32, #tpu.memory_space<hbm>>) target_semaphore(%arg13 : memref<!tpu.dma_semaphore, #tpu.memory_space<semaphore_mem>>)
        %dma_start3A_367 = arith.constant 3 : i32
        %dma_start3A_368 = arith.constant 3 : i32
        %dma_start3A_369 = arith.constant 0 : i32
        %dma_start3A_370 = tpu.memref_slice %arg9[%dma_start3A_367, %dma_start3A_369] : memref<4x4096xf32, #tpu.memory_space<vmem>> -> memref<1x4096xf32, #tpu.memory_space<vmem>>
        %dma_start3A_371 = tpu.memref_squeeze %dma_start3A_370 : memref<1x4096xf32, #tpu.memory_space<vmem>> -> memref<4096xf32, #tpu.memory_space<vmem>>
        %dma_start3A_372 = tpu.memref_slice %arg4[%sub3A_330, %dma_start3A_368, %mul3A_4] : memref<50x4x131072xf32, #tpu.memory_space<hbm>> -> memref<1x1x4096xf32, #tpu.memory_space<hbm>>
        %dma_start3A_373 = tpu.memref_squeeze %dma_start3A_372 : memref<1x1x4096xf32, #tpu.memory_space<hbm>> -> memref<4096xf32, #tpu.memory_space<hbm>>
        %dma_start3A_374 = tpu.memref_slice %arg4[%sub3A_330, %dma_start3A_368, %mul3A_4] : memref<50x4x131072xf32, #tpu.memory_space<hbm>> -> memref<1x1x4096xf32, #tpu.memory_space<hbm>>
        %dma_start3A_375 = tpu.memref_squeeze %dma_start3A_374 : memref<1x1x4096xf32, #tpu.memory_space<hbm>> -> memref<4096xf32, #tpu.memory_space<hbm>>
        %dma_start3A_376 = arith.constant 0 : i32
        %dma_start3A_377 = tpu.memref_slice %arg9[%dma_start3A_367, %dma_start3A_376] : memref<4x4096xf32, #tpu.memory_space<vmem>> -> memref<1x4096xf32, #tpu.memory_space<vmem>>
        %dma_start3A_378 = tpu.memref_squeeze %dma_start3A_377 : memref<1x4096xf32, #tpu.memory_space<vmem>> -> memref<4096xf32, #tpu.memory_space<vmem>>
        tpu.enqueue_dma source(%dma_start3A_378 : memref<4096xf32, #tpu.memory_space<vmem>>) target(%dma_start3A_375 : memref<4096xf32, #tpu.memory_space<hbm>>) target_semaphore(%arg13 : memref<!tpu.dma_semaphore, #tpu.memory_space<semaphore_mem>>)
      } else {
      }
      %dma_wait3A_139 = arith.constant 0 : i32
      %dma_wait3A_140 = arith.constant 0 : i32
      %dma_wait3A_141 = tpu.memref_slice %arg6[%dma_wait3A_139, %dma_wait3A_140] : memref<512x32xf32, #tpu.memory_space<vmem>> -> memref<128x32xf32, #tpu.memory_space<vmem>>
      %dma_wait3A_142 = arith.constant 0 : i32
      %dma_wait3A_143 = tpu.memref_slice %arg5[%add3A_95, %dma_wait3A_142] : memref<50x512xi32, #tpu.memory_space<vmem>> -> memref<1x128xi32, #tpu.memory_space<vmem>>
      %dma_wait3A_144 = tpu.memref_squeeze %dma_wait3A_143 : memref<1x128xi32, #tpu.memory_space<vmem>> -> memref<128xi32, #tpu.memory_space<vmem>>
      %dma_wait3A_145 = arith.constant 0 : i32
      %dma_wait3A_146 = arith.constant 0 : i32
      %dma_wait3A_147 = tpu.memref_slice %arg3[%dma_wait3A_145, %dma_wait3A_146] : memref<1000000x32xf32, #tpu.memory_space<hbm>> -> memref<1000000x32xf32, #tpu.memory_space<hbm>>
      tpu.wait_indirect_dma semaphore(%arg10 : memref<!tpu.dma_semaphore, #tpu.memory_space<semaphore_mem>>) src(%dma_wait3A_147 : memref<1000000x32xf32, #tpu.memory_space<hbm>>) dst(%dma_wait3A_141 : memref<128x32xf32, #tpu.memory_space<vmem>>)
      %dma_wait3A_148 = arith.constant 128 : i32
      %dma_wait3A_149 = arith.constant 0 : i32
      %dma_wait3A_150 = tpu.memref_slice %arg6[%dma_wait3A_148, %dma_wait3A_149] : memref<512x32xf32, #tpu.memory_space<vmem>> -> memref<128x32xf32, #tpu.memory_space<vmem>>
      %dma_wait3A_151 = arith.constant 128 : i32
      %dma_wait3A_152 = tpu.memref_slice %arg5[%add3A_95, %dma_wait3A_151] : memref<50x512xi32, #tpu.memory_space<vmem>> -> memref<1x128xi32, #tpu.memory_space<vmem>>
      %dma_wait3A_153 = tpu.memref_squeeze %dma_wait3A_152 : memref<1x128xi32, #tpu.memory_space<vmem>> -> memref<128xi32, #tpu.memory_space<vmem>>
      %dma_wait3A_154 = arith.constant 0 : i32
      %dma_wait3A_155 = arith.constant 0 : i32
      %dma_wait3A_156 = tpu.memref_slice %arg3[%dma_wait3A_154, %dma_wait3A_155] : memref<1000000x32xf32, #tpu.memory_space<hbm>> -> memref<1000000x32xf32, #tpu.memory_space<hbm>>
      tpu.wait_indirect_dma semaphore(%arg10 : memref<!tpu.dma_semaphore, #tpu.memory_space<semaphore_mem>>) src(%dma_wait3A_156 : memref<1000000x32xf32, #tpu.memory_space<hbm>>) dst(%dma_wait3A_150 : memref<128x32xf32, #tpu.memory_space<vmem>>)
      %dma_wait3A_157 = arith.constant 256 : i32
      %dma_wait3A_158 = arith.constant 0 : i32
      %dma_wait3A_159 = tpu.memref_slice %arg6[%dma_wait3A_157, %dma_wait3A_158] : memref<512x32xf32, #tpu.memory_space<vmem>> -> memref<128x32xf32, #tpu.memory_space<vmem>>
      %dma_wait3A_160 = arith.constant 256 : i32
      %dma_wait3A_161 = tpu.memref_slice %arg5[%add3A_95, %dma_wait3A_160] : memref<50x512xi32, #tpu.memory_space<vmem>> -> memref<1x128xi32, #tpu.memory_space<vmem>>
      %dma_wait3A_162 = tpu.memref_squeeze %dma_wait3A_161 : memref<1x128xi32, #tpu.memory_space<vmem>> -> memref<128xi32, #tpu.memory_space<vmem>>
      %dma_wait3A_163 = arith.constant 0 : i32
      %dma_wait3A_164 = arith.constant 0 : i32
      %dma_wait3A_165 = tpu.memref_slice %arg3[%dma_wait3A_163, %dma_wait3A_164] : memref<1000000x32xf32, #tpu.memory_space<hbm>> -> memref<1000000x32xf32, #tpu.memory_space<hbm>>
      tpu.wait_indirect_dma semaphore(%arg10 : memref<!tpu.dma_semaphore, #tpu.memory_space<semaphore_mem>>) src(%dma_wait3A_165 : memref<1000000x32xf32, #tpu.memory_space<hbm>>) dst(%dma_wait3A_159 : memref<128x32xf32, #tpu.memory_space<vmem>>)
      %dma_wait3A_166 = arith.constant 384 : i32
      %dma_wait3A_167 = arith.constant 0 : i32
      %dma_wait3A_168 = tpu.memref_slice %arg6[%dma_wait3A_166, %dma_wait3A_167] : memref<512x32xf32, #tpu.memory_space<vmem>> -> memref<128x32xf32, #tpu.memory_space<vmem>>
      %dma_wait3A_169 = arith.constant 384 : i32
      %dma_wait3A_170 = tpu.memref_slice %arg5[%add3A_95, %dma_wait3A_169] : memref<50x512xi32, #tpu.memory_space<vmem>> -> memref<1x128xi32, #tpu.memory_space<vmem>>
      %dma_wait3A_171 = tpu.memref_squeeze %dma_wait3A_170 : memref<1x128xi32, #tpu.memory_space<vmem>> -> memref<128xi32, #tpu.memory_space<vmem>>
      %dma_wait3A_172 = arith.constant 0 : i32
      %dma_wait3A_173 = arith.constant 0 : i32
      %dma_wait3A_174 = tpu.memref_slice %arg3[%dma_wait3A_172, %dma_wait3A_173] : memref<1000000x32xf32, #tpu.memory_space<hbm>> -> memref<1000000x32xf32, #tpu.memory_space<hbm>>
      tpu.wait_indirect_dma semaphore(%arg10 : memref<!tpu.dma_semaphore, #tpu.memory_space<semaphore_mem>>) src(%dma_wait3A_174 : memref<1000000x32xf32, #tpu.memory_space<hbm>>) dst(%dma_wait3A_168 : memref<128x32xf32, #tpu.memory_space<vmem>>)
      %add3A_175 = arith.constant 1 : i32
      %add3A_176 = arith.addi %add3A_95, %add3A_175 : i32
      %dma_start3A_177 = arith.constant 0 : i32
      %dma_start3A_178 = arith.constant 0 : i32
      %dma_start3A_179 = tpu.memref_slice %arg7[%dma_start3A_177, %dma_start3A_178] : memref<512x32xf32, #tpu.memory_space<vmem>> -> memref<128x32xf32, #tpu.memory_space<vmem>>
      %dma_start3A_180 = arith.constant 0 : i32
      %dma_start3A_181 = tpu.memref_slice %arg5[%add3A_176, %dma_start3A_180] : memref<50x512xi32, #tpu.memory_space<vmem>> -> memref<1x128xi32, #tpu.memory_space<vmem>>
      %dma_start3A_182 = tpu.memref_squeeze %dma_start3A_181 : memref<1x128xi32, #tpu.memory_space<vmem>> -> memref<128xi32, #tpu.memory_space<vmem>>
      %dma_start3A_183 = arith.constant 0 : i32
      %dma_start3A_184 = arith.constant 0 : i32
      %dma_start3A_185 = tpu.memref_slice %arg3[%dma_start3A_183, %dma_start3A_184] : memref<1000000x32xf32, #tpu.memory_space<hbm>> -> memref<1000000x32xf32, #tpu.memory_space<hbm>>
      tpu.enqueue_indirect_dma source(%dma_start3A_185 : memref<1000000x32xf32, #tpu.memory_space<hbm>>) target(%dma_start3A_179 : memref<128x32xf32, #tpu.memory_space<vmem>>) offsets(%dma_start3A_182 : memref<128xi32, #tpu.memory_space<vmem>>) semaphore(%arg11 : memref<!tpu.dma_semaphore, #tpu.memory_space<semaphore_mem>>)
      %dma_start3A_186 = arith.constant 128 : i32
      %dma_start3A_187 = arith.constant 0 : i32
      %dma_start3A_188 = tpu.memref_slice %arg7[%dma_start3A_186, %dma_start3A_187] : memref<512x32xf32, #tpu.memory_space<vmem>> -> memref<128x32xf32, #tpu.memory_space<vmem>>
      %dma_start3A_189 = arith.constant 128 : i32
      %dma_start3A_190 = tpu.memref_slice %arg5[%add3A_176, %dma_start3A_189] : memref<50x512xi32, #tpu.memory_space<vmem>> -> memref<1x128xi32, #tpu.memory_space<vmem>>
      %dma_start3A_191 = tpu.memref_squeeze %dma_start3A_190 : memref<1x128xi32, #tpu.memory_space<vmem>> -> memref<128xi32, #tpu.memory_space<vmem>>
      %dma_start3A_192 = arith.constant 0 : i32
      %dma_start3A_193 = arith.constant 0 : i32
      %dma_start3A_194 = tpu.memref_slice %arg3[%dma_start3A_192, %dma_start3A_193] : memref<1000000x32xf32, #tpu.memory_space<hbm>> -> memref<1000000x32xf32, #tpu.memory_space<hbm>>
      tpu.enqueue_indirect_dma source(%dma_start3A_194 : memref<1000000x32xf32, #tpu.memory_space<hbm>>) target(%dma_start3A_188 : memref<128x32xf32, #tpu.memory_space<vmem>>) offsets(%dma_start3A_191 : memref<128xi32, #tpu.memory_space<vmem>>) semaphore(%arg11 : memref<!tpu.dma_semaphore, #tpu.memory_space<semaphore_mem>>)
      %dma_start3A_195 = arith.constant 256 : i32
      %dma_start3A_196 = arith.constant 0 : i32
      %dma_start3A_197 = tpu.memref_slice %arg7[%dma_start3A_195, %dma_start3A_196] : memref<512x32xf32, #tpu.memory_space<vmem>> -> memref<128x32xf32, #tpu.memory_space<vmem>>
      %dma_start3A_198 = arith.constant 256 : i32
      %dma_start3A_199 = tpu.memref_slice %arg5[%add3A_176, %dma_start3A_198] : memref<50x512xi32, #tpu.memory_space<vmem>> -> memref<1x128xi32, #tpu.memory_space<vmem>>
      %dma_start3A_200 = tpu.memref_squeeze %dma_start3A_199 : memref<1x128xi32, #tpu.memory_space<vmem>> -> memref<128xi32, #tpu.memory_space<vmem>>
      %dma_start3A_201 = arith.constant 0 : i32
      %dma_start3A_202 = arith.constant 0 : i32
      %dma_start3A_203 = tpu.memref_slice %arg3[%dma_start3A_201, %dma_start3A_202] : memref<1000000x32xf32, #tpu.memory_space<hbm>> -> memref<1000000x32xf32, #tpu.memory_space<hbm>>
      tpu.enqueue_indirect_dma source(%dma_start3A_203 : memref<1000000x32xf32, #tpu.memory_space<hbm>>) target(%dma_start3A_197 : memref<128x32xf32, #tpu.memory_space<vmem>>) offsets(%dma_start3A_200 : memref<128xi32, #tpu.memory_space<vmem>>) semaphore(%arg11 : memref<!tpu.dma_semaphore, #tpu.memory_space<semaphore_mem>>)
      %dma_start3A_204 = arith.constant 384 : i32
      %dma_start3A_205 = arith.constant 0 : i32
      %dma_start3A_206 = tpu.memref_slice %arg7[%dma_start3A_204, %dma_start3A_205] : memref<512x32xf32, #tpu.memory_space<vmem>> -> memref<128x32xf32, #tpu.memory_space<vmem>>
      %dma_start3A_207 = arith.constant 384 : i32
      %dma_start3A_208 = tpu.memref_slice %arg5[%add3A_176, %dma_start3A_207] : memref<50x512xi32, #tpu.memory_space<vmem>> -> memref<1x128xi32, #tpu.memory_space<vmem>>
      %dma_start3A_209 = tpu.memref_squeeze %dma_start3A_208 : memref<1x128xi32, #tpu.memory_space<vmem>> -> memref<128xi32, #tpu.memory_space<vmem>>
      %dma_start3A_210 = arith.constant 0 : i32
      %dma_start3A_211 = arith.constant 0 : i32
      %dma_start3A_212 = tpu.memref_slice %arg3[%dma_start3A_210, %dma_start3A_211] : memref<1000000x32xf32, #tpu.memory_space<hbm>> -> memref<1000000x32xf32, #tpu.memory_space<hbm>>
      tpu.enqueue_indirect_dma source(%dma_start3A_212 : memref<1000000x32xf32, #tpu.memory_space<hbm>>) target(%dma_start3A_206 : memref<128x32xf32, #tpu.memory_space<vmem>>) offsets(%dma_start3A_209 : memref<128xi32, #tpu.memory_space<vmem>>) semaphore(%arg11 : memref<!tpu.dma_semaphore, #tpu.memory_space<semaphore_mem>>)
      %gt3A_213 = arith.constant 0 : i32
      %gt3A_214 = arith.cmpi sgt, %add3A_95, %gt3A_213 : i32
      %convert_element_type3A_215 = arith.extui %gt3A_214 : i1 to i32
      %cond3A_216 = arith.constant 0 : i32
      %cond3A_217 = arith.cmpi ne, %convert_element_type3A_215, %cond3A_216 : i32
      scf.if %cond3A_217 {
        %dma_wait3A_316 = arith.constant 0 : i32
        %dma_wait3A_317 = arith.constant 0 : i32
        %dma_wait3A_318 = tpu.memref_slice %arg4[%dma_wait3A_316, %dma_wait3A_317, %mul3A_4] : memref<50x4x131072xf32, #tpu.memory_space<hbm>> -> memref<1x4x4096xf32, #tpu.memory_space<hbm>>
        %dma_wait3A_319 = tpu.memref_squeeze %dma_wait3A_318 : memref<1x4x4096xf32, #tpu.memory_space<hbm>> -> memref<4x4096xf32, #tpu.memory_space<hbm>>
        %dma_wait3A_320 = arith.constant 0 : i32
        %dma_wait3A_321 = tpu.memref_slice %arg4[%dma_wait3A_316, %dma_wait3A_320, %mul3A_4] : memref<50x4x131072xf32, #tpu.memory_space<hbm>> -> memref<1x4x4096xf32, #tpu.memory_space<hbm>>
        %dma_wait3A_322 = tpu.memref_squeeze %dma_wait3A_321 : memref<1x4x4096xf32, #tpu.memory_space<hbm>> -> memref<4x4096xf32, #tpu.memory_space<hbm>>
        tpu.wait_dma2 semaphore(%arg12 : memref<!tpu.dma_semaphore, #tpu.memory_space<semaphore_mem>>) src(%arg8 : memref<4x4096xf32, #tpu.memory_space<vmem>>) dst(%dma_wait3A_322 : memref<4x4096xf32, #tpu.memory_space<hbm>>)
      } else {
      }
      %shift_right_arithmetic3A_218 = arith.constant 3 : i32
      %shift_right_arithmetic3A_219 = vector.broadcast %shift_right_arithmetic3A_218 : i32 to vector<16xi32>
      %shift_right_arithmetic3A_220 = arith.shrsi %iota3A, %shift_right_arithmetic3A_219 : vector<16xi32>
      %and3A_221 = arith.constant 7 : i32
      %and3A_222 = vector.broadcast %and3A_221 : i32 to vector<16xi32>
      %and3A_223 = arith.andi %iota3A, %and3A_222 : vector<16xi32>
      %shift_left3A_224 = arith.constant 7 : i32
      %shift_left3A_225 = vector.broadcast %shift_left3A_224 : i32 to vector<16xi32>
      %shift_left3A_226 = arith.shli %and3A_223, %shift_left3A_225 : vector<16xi32>
      %scan3A_227 = arith.constant 0 : i32
      %scan3A_228 = arith.constant 512 : i32
      %scan3A_229 = arith.addi %scan3A_227, %scan3A_228 : i32
      %scan3A_230 = arith.constant 8 : i32
      scf.for %scan3A_316 = %scan3A_227 to %scan3A_229 step %scan3A_230  : i32 {
        %mul3A_317 = arith.constant 1 : i32
        %mul3A_318 = arith.muli %scan3A_316, %mul3A_317 : i32
        %add3A_319 = arith.constant 0 : i32
        %add3A_320 = arith.addi %add3A_319, %mul3A_318 : i32
        %shift_right_arithmetic3A_321 = arith.constant 7 : i32
        %shift_right_arithmetic3A_322 = arith.shrsi %add3A_320, %shift_right_arithmetic3A_321 : i32
        %shift_left3A_323 = arith.constant 10 : i32
        %shift_left3A_324 = arith.shli %shift_right_arithmetic3A_322, %shift_left3A_323 : i32
        %and3A_325 = arith.constant 127 : i32
        %and3A_326 = arith.andi %add3A_320, %and3A_325 : i32
        %add3A_327 = arith.addi %shift_left3A_324, %and3A_326 : i32
        %broadcast_in_dim3A = vector.broadcast %add3A_327 : i32 to vector<16xi32>
        %add3A_328 = arith.addi %shift_left3A_226, %broadcast_in_dim3A : vector<16xi32>
        %get3A = arith.index_cast %add3A_320 : i32 to index
        %get3A_329 = arith.constant 0 : index
        %get3A_330 = tpu.vector_load %arg6[%get3A, %get3A_329] {strides = array<i32>} : memref<512x32xf32, #tpu.memory_space<vmem>>, vector<16xf32>,
        %get3A_331 = arith.index_cast %add3A_320 : i32 to index
        %get3A_332 = arith.constant 16 : index
        %get3A_333 = tpu.vector_load %arg6[%get3A_331, %get3A_332] {strides = array<i32>} : memref<512x32xf32, #tpu.memory_space<vmem>>, vector<16xf32>,
        tpu.vector_store_idx %arg8[%shift_right_arithmetic3A_220, %add3A_328], %get3A_330 : memref<4x4096xf32, #tpu.memory_space<vmem>>[vector<16xi32>, vector<16xi32>], vector<16xf32>,
        %add3A_334 = arith.constant 2 : i32
        %add3A_335 = vector.broadcast %add3A_334 : i32 to vector<16xi32>
        %add3A_336 = arith.addi %shift_right_arithmetic3A_220, %add3A_335 : vector<16xi32>
        tpu.vector_store_idx %arg8[%add3A_336, %add3A_328], %get3A_333 : memref<4x4096xf32, #tpu.memory_space<vmem>>[vector<16xi32>, vector<16xi32>], vector<16xf32>,
        %scan3A_337 = arith.constant 1 : i32
        %scan3A_338 = arith.addi %scan3A_316, %scan3A_337 : i32
        %mul3A_339 = arith.constant 1 : i32
        %mul3A_340 = arith.muli %scan3A_338, %mul3A_339 : i32
        %add3A_341 = arith.constant 0 : i32
        %add3A_342 = arith.addi %add3A_341, %mul3A_340 : i32
        %shift_right_arithmetic3A_343 = arith.constant 7 : i32
        %shift_right_arithmetic3A_344 = arith.shrsi %add3A_342, %shift_right_arithmetic3A_343 : i32
        %shift_left3A_345 = arith.constant 10 : i32
        %shift_left3A_346 = arith.shli %shift_right_arithmetic3A_344, %shift_left3A_345 : i32
        %and3A_347 = arith.constant 127 : i32
        %and3A_348 = arith.andi %add3A_342, %and3A_347 : i32
        %add3A_349 = arith.addi %shift_left3A_346, %and3A_348 : i32
        %broadcast_in_dim3A_350 = vector.broadcast %add3A_349 : i32 to vector<16xi32>
        %add3A_351 = arith.addi %shift_left3A_226, %broadcast_in_dim3A_350 : vector<16xi32>
        %get3A_352 = arith.index_cast %add3A_342 : i32 to index
        %get3A_353 = arith.constant 0 : index
        %get3A_354 = tpu.vector_load %arg6[%get3A_352, %get3A_353] {strides = array<i32>} : memref<512x32xf32, #tpu.memory_space<vmem>>, vector<16xf32>,
        %get3A_355 = arith.index_cast %add3A_342 : i32 to index
        %get3A_356 = arith.constant 16 : index
        %get3A_357 = tpu.vector_load %arg6[%get3A_355, %get3A_356] {strides = array<i32>} : memref<512x32xf32, #tpu.memory_space<vmem>>, vector<16xf32>,
        tpu.vector_store_idx %arg8[%shift_right_arithmetic3A_220, %add3A_351], %get3A_354 : memref<4x4096xf32, #tpu.memory_space<vmem>>[vector<16xi32>, vector<16xi32>], vector<16xf32>,
        %add3A_358 = arith.constant 2 : i32
        %add3A_359 = vector.broadcast %add3A_358 : i32 to vector<16xi32>
        %add3A_360 = arith.addi %shift_right_arithmetic3A_220, %add3A_359 : vector<16xi32>
        tpu.vector_store_idx %arg8[%add3A_360, %add3A_351], %get3A_357 : memref<4x4096xf32, #tpu.memory_space<vmem>>[vector<16xi32>, vector<16xi32>], vector<16xf32>,
        %scan3A_361 = arith.constant 2 : i32
        %scan3A_362 = arith.addi %scan3A_316, %scan3A_361 : i32
        %mul3A_363 = arith.constant 1 : i32
        %mul3A_364 = arith.muli %scan3A_362, %mul3A_363 : i32
        %add3A_365 = arith.constant 0 : i32
        %add3A_366 = arith.addi %add3A_365, %mul3A_364 : i32
        %shift_right_arithmetic3A_367 = arith.constant 7 : i32
        %shift_right_arithmetic3A_368 = arith.shrsi %add3A_366, %shift_right_arithmetic3A_367 : i32
        %shift_left3A_369 = arith.constant 10 : i32
        %shift_left3A_370 = arith.shli %shift_right_arithmetic3A_368, %shift_left3A_369 : i32
        %and3A_371 = arith.constant 127 : i32
        %and3A_372 = arith.andi %add3A_366, %and3A_371 : i32
        %add3A_373 = arith.addi %shift_left3A_370, %and3A_372 : i32
        %broadcast_in_dim3A_374 = vector.broadcast %add3A_373 : i32 to vector<16xi32>
        %add3A_375 = arith.addi %shift_left3A_226, %broadcast_in_dim3A_374 : vector<16xi32>
        %get3A_376 = arith.index_cast %add3A_366 : i32 to index
        %get3A_377 = arith.constant 0 : index
        %get3A_378 = tpu.vector_load %arg6[%get3A_376, %get3A_377] {strides = array<i32>} : memref<512x32xf32, #tpu.memory_space<vmem>>, vector<16xf32>,
        %get3A_379 = arith.index_cast %add3A_366 : i32 to index
        %get3A_380 = arith.constant 16 : index
        %get3A_381 = tpu.vector_load %arg6[%get3A_379, %get3A_380] {strides = array<i32>} : memref<512x32xf32, #tpu.memory_space<vmem>>, vector<16xf32>,
        tpu.vector_store_idx %arg8[%shift_right_arithmetic3A_220, %add3A_375], %get3A_378 : memref<4x4096xf32, #tpu.memory_space<vmem>>[vector<16xi32>, vector<16xi32>], vector<16xf32>,
        %add3A_382 = arith.constant 2 : i32
        %add3A_383 = vector.broadcast %add3A_382 : i32 to vector<16xi32>
        %add3A_384 = arith.addi %shift_right_arithmetic3A_220, %add3A_383 : vector<16xi32>
        tpu.vector_store_idx %arg8[%add3A_384, %add3A_375], %get3A_381 : memref<4x4096xf32, #tpu.memory_space<vmem>>[vector<16xi32>, vector<16xi32>], vector<16xf32>,
        %scan3A_385 = arith.constant 3 : i32
        %scan3A_386 = arith.addi %scan3A_316, %scan3A_385 : i32
        %mul3A_387 = arith.constant 1 : i32
        %mul3A_388 = arith.muli %scan3A_386, %mul3A_387 : i32
        %add3A_389 = arith.constant 0 : i32
        %add3A_390 = arith.addi %add3A_389, %mul3A_388 : i32
        %shift_right_arithmetic3A_391 = arith.constant 7 : i32
        %shift_right_arithmetic3A_392 = arith.shrsi %add3A_390, %shift_right_arithmetic3A_391 : i32
        %shift_left3A_393 = arith.constant 10 : i32
        %shift_left3A_394 = arith.shli %shift_right_arithmetic3A_392, %shift_left3A_393 : i32
        %and3A_395 = arith.constant 127 : i32
        %and3A_396 = arith.andi %add3A_390, %and3A_395 : i32
        %add3A_397 = arith.addi %shift_left3A_394, %and3A_396 : i32
        %broadcast_in_dim3A_398 = vector.broadcast %add3A_397 : i32 to vector<16xi32>
        %add3A_399 = arith.addi %shift_left3A_226, %broadcast_in_dim3A_398 : vector<16xi32>
        %get3A_400 = arith.index_cast %add3A_390 : i32 to index
        %get3A_401 = arith.constant 0 : index
        %get3A_402 = tpu.vector_load %arg6[%get3A_400, %get3A_401] {strides = array<i32>} : memref<512x32xf32, #tpu.memory_space<vmem>>, vector<16xf32>,
        %get3A_403 = arith.index_cast %add3A_390 : i32 to index
        %get3A_404 = arith.constant 16 : index
        %get3A_405 = tpu.vector_load %arg6[%get3A_403, %get3A_404] {strides = array<i32>} : memref<512x32xf32, #tpu.memory_space<vmem>>, vector<16xf32>,
        tpu.vector_store_idx %arg8[%shift_right_arithmetic3A_220, %add3A_399], %get3A_402 : memref<4x4096xf32, #tpu.memory_space<vmem>>[vector<16xi32>, vector<16xi32>], vector<16xf32>,
        %add3A_406 = arith.constant 2 : i32
        %add3A_407 = vector.broadcast %add3A_406 : i32 to vector<16xi32>
        %add3A_408 = arith.addi %shift_right_arithmetic3A_220, %add3A_407 : vector<16xi32>
        tpu.vector_store_idx %arg8[%add3A_408, %add3A_399], %get3A_405 : memref<4x4096xf32, #tpu.memory_space<vmem>>[vector<16xi32>, vector<16xi32>], vector<16xf32>,
        %scan3A_409 = arith.constant 4 : i32
        %scan3A_410 = arith.addi %scan3A_316, %scan3A_409 : i32
        %mul3A_411 = arith.constant 1 : i32
        %mul3A_412 = arith.muli %scan3A_410, %mul3A_411 : i32
        %add3A_413 = arith.constant 0 : i32
        %add3A_414 = arith.addi %add3A_413, %mul3A_412 : i32
        %shift_right_arithmetic3A_415 = arith.constant 7 : i32
        %shift_right_arithmetic3A_416 = arith.shrsi %add3A_414, %shift_right_arithmetic3A_415 : i32
        %shift_left3A_417 = arith.constant 10 : i32
        %shift_left3A_418 = arith.shli %shift_right_arithmetic3A_416, %shift_left3A_417 : i32
        %and3A_419 = arith.constant 127 : i32
        %and3A_420 = arith.andi %add3A_414, %and3A_419 : i32
        %add3A_421 = arith.addi %shift_left3A_418, %and3A_420 : i32
        %broadcast_in_dim3A_422 = vector.broadcast %add3A_421 : i32 to vector<16xi32>
        %add3A_423 = arith.addi %shift_left3A_226, %broadcast_in_dim3A_422 : vector<16xi32>
        %get3A_424 = arith.index_cast %add3A_414 : i32 to index
        %get3A_425 = arith.constant 0 : index
        %get3A_426 = tpu.vector_load %arg6[%get3A_424, %get3A_425] {strides = array<i32>} : memref<512x32xf32, #tpu.memory_space<vmem>>, vector<16xf32>,
        %get3A_427 = arith.index_cast %add3A_414 : i32 to index
        %get3A_428 = arith.constant 16 : index
        %get3A_429 = tpu.vector_load %arg6[%get3A_427, %get3A_428] {strides = array<i32>} : memref<512x32xf32, #tpu.memory_space<vmem>>, vector<16xf32>,
        tpu.vector_store_idx %arg8[%shift_right_arithmetic3A_220, %add3A_423], %get3A_426 : memref<4x4096xf32, #tpu.memory_space<vmem>>[vector<16xi32>, vector<16xi32>], vector<16xf32>,
        %add3A_430 = arith.constant 2 : i32
        %add3A_431 = vector.broadcast %add3A_430 : i32 to vector<16xi32>
        %add3A_432 = arith.addi %shift_right_arithmetic3A_220, %add3A_431 : vector<16xi32>
        tpu.vector_store_idx %arg8[%add3A_432, %add3A_423], %get3A_429 : memref<4x4096xf32, #tpu.memory_space<vmem>>[vector<16xi32>, vector<16xi32>], vector<16xf32>,
        %scan3A_433 = arith.constant 5 : i32
        %scan3A_434 = arith.addi %scan3A_316, %scan3A_433 : i32
        %mul3A_435 = arith.constant 1 : i32
        %mul3A_436 = arith.muli %scan3A_434, %mul3A_435 : i32
        %add3A_437 = arith.constant 0 : i32
        %add3A_438 = arith.addi %add3A_437, %mul3A_436 : i32
        %shift_right_arithmetic3A_439 = arith.constant 7 : i32
        %shift_right_arithmetic3A_440 = arith.shrsi %add3A_438, %shift_right_arithmetic3A_439 : i32
        %shift_left3A_441 = arith.constant 10 : i32
        %shift_left3A_442 = arith.shli %shift_right_arithmetic3A_440, %shift_left3A_441 : i32
        %and3A_443 = arith.constant 127 : i32
        %and3A_444 = arith.andi %add3A_438, %and3A_443 : i32
        %add3A_445 = arith.addi %shift_left3A_442, %and3A_444 : i32
        %broadcast_in_dim3A_446 = vector.broadcast %add3A_445 : i32 to vector<16xi32>
        %add3A_447 = arith.addi %shift_left3A_226, %broadcast_in_dim3A_446 : vector<16xi32>
        %get3A_448 = arith.index_cast %add3A_438 : i32 to index
        %get3A_449 = arith.constant 0 : index
        %get3A_450 = tpu.vector_load %arg6[%get3A_448, %get3A_449] {strides = array<i32>} : memref<512x32xf32, #tpu.memory_space<vmem>>, vector<16xf32>,
        %get3A_451 = arith.index_cast %add3A_438 : i32 to index
        %get3A_452 = arith.constant 16 : index
        %get3A_453 = tpu.vector_load %arg6[%get3A_451, %get3A_452] {strides = array<i32>} : memref<512x32xf32, #tpu.memory_space<vmem>>, vector<16xf32>,
        tpu.vector_store_idx %arg8[%shift_right_arithmetic3A_220, %add3A_447], %get3A_450 : memref<4x4096xf32, #tpu.memory_space<vmem>>[vector<16xi32>, vector<16xi32>], vector<16xf32>,
        %add3A_454 = arith.constant 2 : i32
        %add3A_455 = vector.broadcast %add3A_454 : i32 to vector<16xi32>
        %add3A_456 = arith.addi %shift_right_arithmetic3A_220, %add3A_455 : vector<16xi32>
        tpu.vector_store_idx %arg8[%add3A_456, %add3A_447], %get3A_453 : memref<4x4096xf32, #tpu.memory_space<vmem>>[vector<16xi32>, vector<16xi32>], vector<16xf32>,
        %scan3A_457 = arith.constant 6 : i32
        %scan3A_458 = arith.addi %scan3A_316, %scan3A_457 : i32
        %mul3A_459 = arith.constant 1 : i32
        %mul3A_460 = arith.muli %scan3A_458, %mul3A_459 : i32
        %add3A_461 = arith.constant 0 : i32
        %add3A_462 = arith.addi %add3A_461, %mul3A_460 : i32
        %shift_right_arithmetic3A_463 = arith.constant 7 : i32
        %shift_right_arithmetic3A_464 = arith.shrsi %add3A_462, %shift_right_arithmetic3A_463 : i32
        %shift_left3A_465 = arith.constant 10 : i32
        %shift_left3A_466 = arith.shli %shift_right_arithmetic3A_464, %shift_left3A_465 : i32
        %and3A_467 = arith.constant 127 : i32
        %and3A_468 = arith.andi %add3A_462, %and3A_467 : i32
        %add3A_469 = arith.addi %shift_left3A_466, %and3A_468 : i32
        %broadcast_in_dim3A_470 = vector.broadcast %add3A_469 : i32 to vector<16xi32>
        %add3A_471 = arith.addi %shift_left3A_226, %broadcast_in_dim3A_470 : vector<16xi32>
        %get3A_472 = arith.index_cast %add3A_462 : i32 to index
        %get3A_473 = arith.constant 0 : index
        %get3A_474 = tpu.vector_load %arg6[%get3A_472, %get3A_473] {strides = array<i32>} : memref<512x32xf32, #tpu.memory_space<vmem>>, vector<16xf32>,
        %get3A_475 = arith.index_cast %add3A_462 : i32 to index
        %get3A_476 = arith.constant 16 : index
        %get3A_477 = tpu.vector_load %arg6[%get3A_475, %get3A_476] {strides = array<i32>} : memref<512x32xf32, #tpu.memory_space<vmem>>, vector<16xf32>,
        tpu.vector_store_idx %arg8[%shift_right_arithmetic3A_220, %add3A_471], %get3A_474 : memref<4x4096xf32, #tpu.memory_space<vmem>>[vector<16xi32>, vector<16xi32>], vector<16xf32>,
        %add3A_478 = arith.constant 2 : i32
        %add3A_479 = vector.broadcast %add3A_478 : i32 to vector<16xi32>
        %add3A_480 = arith.addi %shift_right_arithmetic3A_220, %add3A_479 : vector<16xi32>
        tpu.vector_store_idx %arg8[%add3A_480, %add3A_471], %get3A_477 : memref<4x4096xf32, #tpu.memory_space<vmem>>[vector<16xi32>, vector<16xi32>], vector<16xf32>,
        %scan3A_481 = arith.constant 7 : i32
        %scan3A_482 = arith.addi %scan3A_316, %scan3A_481 : i32
        %mul3A_483 = arith.constant 1 : i32
        %mul3A_484 = arith.muli %scan3A_482, %mul3A_483 : i32
        %add3A_485 = arith.constant 0 : i32
        %add3A_486 = arith.addi %add3A_485, %mul3A_484 : i32
        %shift_right_arithmetic3A_487 = arith.constant 7 : i32
        %shift_right_arithmetic3A_488 = arith.shrsi %add3A_486, %shift_right_arithmetic3A_487 : i32
        %shift_left3A_489 = arith.constant 10 : i32
        %shift_left3A_490 = arith.shli %shift_right_arithmetic3A_488, %shift_left3A_489 : i32
        %and3A_491 = arith.constant 127 : i32
        %and3A_492 = arith.andi %add3A_486, %and3A_491 : i32
        %add3A_493 = arith.addi %shift_left3A_490, %and3A_492 : i32
        %broadcast_in_dim3A_494 = vector.broadcast %add3A_493 : i32 to vector<16xi32>
        %add3A_495 = arith.addi %shift_left3A_226, %broadcast_in_dim3A_494 : vector<16xi32>
        %get3A_496 = arith.index_cast %add3A_486 : i32 to index
        %get3A_497 = arith.constant 0 : index
        %get3A_498 = tpu.vector_load %arg6[%get3A_496, %get3A_497] {strides = array<i32>} : memref<512x32xf32, #tpu.memory_space<vmem>>, vector<16xf32>,
        %get3A_499 = arith.index_cast %add3A_486 : i32 to index
        %get3A_500 = arith.constant 16 : index
        %get3A_501 = tpu.vector_load %arg6[%get3A_499, %get3A_500] {strides = array<i32>} : memref<512x32xf32, #tpu.memory_space<vmem>>, vector<16xf32>,
        tpu.vector_store_idx %arg8[%shift_right_arithmetic3A_220, %add3A_495], %get3A_498 : memref<4x4096xf32, #tpu.memory_space<vmem>>[vector<16xi32>, vector<16xi32>], vector<16xf32>,
        %add3A_502 = arith.constant 2 : i32
        %add3A_503 = vector.broadcast %add3A_502 : i32 to vector<16xi32>
        %add3A_504 = arith.addi %shift_right_arithmetic3A_220, %add3A_503 : vector<16xi32>
        tpu.vector_store_idx %arg8[%add3A_504, %add3A_495], %get3A_501 : memref<4x4096xf32, #tpu.memory_space<vmem>>[vector<16xi32>, vector<16xi32>], vector<16xf32>,
      }
      %scan3A_231 = arith.constant 512 : i32
      %dma_start3A_232 = arith.constant 0 : i32
      %dma_start3A_233 = arith.constant 0 : i32
      %dma_start3A_234 = arith.constant 0 : i32
      %dma_start3A_235 = tpu.memref_slice %arg8[%dma_start3A_232, %dma_start3A_234] : memref<4x4096xf32, #tpu.memory_space<vmem>> -> memref<1x4096xf32, #tpu.memory_space<vmem>>
      %dma_start3A_236 = tpu.memref_squeeze %dma_start3A_235 : memref<1x4096xf32, #tpu.memory_space<vmem>> -> memref<4096xf32, #tpu.memory_space<vmem>>
      %dma_start3A_237 = tpu.memref_slice %arg4[%add3A_95, %dma_start3A_233, %mul3A_4] : memref<50x4x131072xf32, #tpu.memory_space<hbm>> -> memref<1x1x4096xf32, #tpu.memory_space<hbm>>
      %dma_start3A_238 = tpu.memref_squeeze %dma_start3A_237 : memref<1x1x4096xf32, #tpu.memory_space<hbm>> -> memref<4096xf32, #tpu.memory_space<hbm>>
      %dma_start3A_239 = tpu.memref_slice %arg4[%add3A_95, %dma_start3A_233, %mul3A_4] : memref<50x4x131072xf32, #tpu.memory_space<hbm>> -> memref<1x1x4096xf32, #tpu.memory_space<hbm>>
      %dma_start3A_240 = tpu.memref_squeeze %dma_start3A_239 : memref<1x1x4096xf32, #tpu.memory_space<hbm>> -> memref<4096xf32, #tpu.memory_space<hbm>>
      %dma_start3A_241 = arith.constant 0 : i32
      %dma_start3A_242 = tpu.memref_slice %arg8[%dma_start3A_232, %dma_start3A_241] : memref<4x4096xf32, #tpu.memory_space<vmem>> -> memref<1x4096xf32, #tpu.memory_space<vmem>>
      %dma_start3A_243 = tpu.memref_squeeze %dma_start3A_242 : memref<1x4096xf32, #tpu.memory_space<vmem>> -> memref<4096xf32, #tpu.memory_space<vmem>>
      tpu.enqueue_dma source(%dma_start3A_243 : memref<4096xf32, #tpu.memory_space<vmem>>) target(%dma_start3A_240 : memref<4096xf32, #tpu.memory_space<hbm>>) target_semaphore(%arg12 : memref<!tpu.dma_semaphore, #tpu.memory_space<semaphore_mem>>)
      %dma_start3A_244 = arith.constant 1 : i32
      %dma_start3A_245 = arith.constant 1 : i32
      %dma_start3A_246 = arith.constant 0 : i32
      %dma_start3A_247 = tpu.memref_slice %arg8[%dma_start3A_244, %dma_start3A_246] : memref<4x4096xf32, #tpu.memory_space<vmem>> -> memref<1x4096xf32, #tpu.memory_space<vmem>>
      %dma_start3A_248 = tpu.memref_squeeze %dma_start3A_247 : memref<1x4096xf32, #tpu.memory_space<vmem>> -> memref<4096xf32, #tpu.memory_space<vmem>>
      %dma_start3A_249 = tpu.memref_slice %arg4[%add3A_95, %dma_start3A_245, %mul3A_4] : memref<50x4x131072xf32, #tpu.memory_space<hbm>> -> memref<1x1x4096xf32, #tpu.memory_space<hbm>>
      %dma_start3A_250 = tpu.memref_squeeze %dma_start3A_249 : memref<1x1x4096xf32, #tpu.memory_space<hbm>> -> memref<4096xf32, #tpu.memory_space<hbm>>
      %dma_start3A_251 = tpu.memref_slice %arg4[%add3A_95, %dma_start3A_245, %mul3A_4] : memref<50x4x131072xf32, #tpu.memory_space<hbm>> -> memref<1x1x4096xf32, #tpu.memory_space<hbm>>
      %dma_start3A_252 = tpu.memref_squeeze %dma_start3A_251 : memref<1x1x4096xf32, #tpu.memory_space<hbm>> -> memref<4096xf32, #tpu.memory_space<hbm>>
      %dma_start3A_253 = arith.constant 0 : i32
      %dma_start3A_254 = tpu.memref_slice %arg8[%dma_start3A_244, %dma_start3A_253] : memref<4x4096xf32, #tpu.memory_space<vmem>> -> memref<1x4096xf32, #tpu.memory_space<vmem>>
      %dma_start3A_255 = tpu.memref_squeeze %dma_start3A_254 : memref<1x4096xf32, #tpu.memory_space<vmem>> -> memref<4096xf32, #tpu.memory_space<vmem>>
      tpu.enqueue_dma source(%dma_start3A_255 : memref<4096xf32, #tpu.memory_space<vmem>>) target(%dma_start3A_252 : memref<4096xf32, #tpu.memory_space<hbm>>) target_semaphore(%arg12 : memref<!tpu.dma_semaphore, #tpu.memory_space<semaphore_mem>>)
      %dma_start3A_256 = arith.constant 2 : i32
      %dma_start3A_257 = arith.constant 2 : i32
      %dma_start3A_258 = arith.constant 0 : i32
      %dma_start3A_259 = tpu.memref_slice %arg8[%dma_start3A_256, %dma_start3A_258] : memref<4x4096xf32, #tpu.memory_space<vmem>> -> memref<1x4096xf32, #tpu.memory_space<vmem>>
      %dma_start3A_260 = tpu.memref_squeeze %dma_start3A_259 : memref<1x4096xf32, #tpu.memory_space<vmem>> -> memref<4096xf32, #tpu.memory_space<vmem>>
      %dma_start3A_261 = tpu.memref_slice %arg4[%add3A_95, %dma_start3A_257, %mul3A_4] : memref<50x4x131072xf32, #tpu.memory_space<hbm>> -> memref<1x1x4096xf32, #tpu.memory_space<hbm>>
      %dma_start3A_262 = tpu.memref_squeeze %dma_start3A_261 : memref<1x1x4096xf32, #tpu.memory_space<hbm>> -> memref<4096xf32, #tpu.memory_space<hbm>>
      %dma_start3A_263 = tpu.memref_slice %arg4[%add3A_95, %dma_start3A_257, %mul3A_4] : memref<50x4x131072xf32, #tpu.memory_space<hbm>> -> memref<1x1x4096xf32, #tpu.memory_space<hbm>>
      %dma_start3A_264 = tpu.memref_squeeze %dma_start3A_263 : memref<1x1x4096xf32, #tpu.memory_space<hbm>> -> memref<4096xf32, #tpu.memory_space<hbm>>
      %dma_start3A_265 = arith.constant 0 : i32
      %dma_start3A_266 = tpu.memref_slice %arg8[%dma_start3A_256, %dma_start3A_265] : memref<4x4096xf32, #tpu.memory_space<vmem>> -> memref<1x4096xf32, #tpu.memory_space<vmem>>
      %dma_start3A_267 = tpu.memref_squeeze %dma_start3A_266 : memref<1x4096xf32, #tpu.memory_space<vmem>> -> memref<4096xf32, #tpu.memory_space<vmem>>
      tpu.enqueue_dma source(%dma_start3A_267 : memref<4096xf32, #tpu.memory_space<vmem>>) target(%dma_start3A_264 : memref<4096xf32, #tpu.memory_space<hbm>>) target_semaphore(%arg12 : memref<!tpu.dma_semaphore, #tpu.memory_space<semaphore_mem>>)
      %dma_start3A_268 = arith.constant 3 : i32
      %dma_start3A_269 = arith.constant 3 : i32
      %dma_start3A_270 = arith.constant 0 : i32
      %dma_start3A_271 = tpu.memref_slice %arg8[%dma_start3A_268, %dma_start3A_270] : memref<4x4096xf32, #tpu.memory_space<vmem>> -> memref<1x4096xf32, #tpu.memory_space<vmem>>
      %dma_start3A_272 = tpu.memref_squeeze %dma_start3A_271 : memref<1x4096xf32, #tpu.memory_space<vmem>> -> memref<4096xf32, #tpu.memory_space<vmem>>
      %dma_start3A_273 = tpu.memref_slice %arg4[%add3A_95, %dma_start3A_269, %mul3A_4] : memref<50x4x131072xf32, #tpu.memory_space<hbm>> -> memref<1x1x4096xf32, #tpu.memory_space<hbm>>
      %dma_start3A_274 = tpu.memref_squeeze %dma_start3A_273 : memref<1x1x4096xf32, #tpu.memory_space<hbm>> -> memref<4096xf32, #tpu.memory_space<hbm>>
      %dma_start3A_275 = tpu.memref_slice %arg4[%add3A_95, %dma_start3A_269, %mul3A_4] : memref<50x4x131072xf32, #tpu.memory_space<hbm>> -> memref<1x1x4096xf32, #tpu.memory_space<hbm>>
      %dma_start3A_276 = tpu.memref_squeeze %dma_start3A_275 : memref<1x1x4096xf32, #tpu.memory_space<hbm>> -> memref<4096xf32, #tpu.memory_space<hbm>>
      %dma_start3A_277 = arith.constant 0 : i32
      %dma_start3A_278 = tpu.memref_slice %arg8[%dma_start3A_268, %dma_start3A_277] : memref<4x4096xf32, #tpu.memory_space<vmem>> -> memref<1x4096xf32, #tpu.memory_space<vmem>>
      %dma_start3A_279 = tpu.memref_squeeze %dma_start3A_278 : memref<1x4096xf32, #tpu.memory_space<vmem>> -> memref<4096xf32, #tpu.memory_space<vmem>>
      tpu.enqueue_dma source(%dma_start3A_279 : memref<4096xf32, #tpu.memory_space<vmem>>) target(%dma_start3A_276 : memref<4096xf32, #tpu.memory_space<hbm>>) target_semaphore(%arg12 : memref<!tpu.dma_semaphore, #tpu.memory_space<semaphore_mem>>)
      %dma_wait3A_280 = arith.constant 0 : i32
      %dma_wait3A_281 = arith.constant 0 : i32
      %dma_wait3A_282 = tpu.memref_slice %arg7[%dma_wait3A_280, %dma_wait3A_281] : memref<512x32xf32, #tpu.memory_space<vmem>> -> memref<128x32xf32, #tpu.memory_space<vmem>>
      %dma_wait3A_283 = arith.constant 0 : i32
      %dma_wait3A_284 = tpu.memref_slice %arg5[%add3A_176, %dma_wait3A_283] : memref<50x512xi32, #tpu.memory_space<vmem>> -> memref<1x128xi32, #tpu.memory_space<vmem>>
      %dma_wait3A_285 = tpu.memref_squeeze %dma_wait3A_284 : memref<1x128xi32, #tpu.memory_space<vmem>> -> memref<128xi32, #tpu.memory_space<vmem>>
      %dma_wait3A_286 = arith.constant 0 : i32
      %dma_wait3A_287 = arith.constant 0 : i32
      %dma_wait3A_288 = tpu.memref_slice %arg3[%dma_wait3A_286, %dma_wait3A_287] : memref<1000000x32xf32, #tpu.memory_space<hbm>> -> memref<1000000x32xf32, #tpu.memory_space<hbm>>
      tpu.wait_indirect_dma semaphore(%arg11 : memref<!tpu.dma_semaphore, #tpu.memory_space<semaphore_mem>>) src(%dma_wait3A_288 : memref<1000000x32xf32, #tpu.memory_space<hbm>>) dst(%dma_wait3A_282 : memref<128x32xf32, #tpu.memory_space<vmem>>)
      %dma_wait3A_289 = arith.constant 128 : i32
      %dma_wait3A_290 = arith.constant 0 : i32
      %dma_wait3A_291 = tpu.memref_slice %arg7[%dma_wait3A_289, %dma_wait3A_290] : memref<512x32xf32, #tpu.memory_space<vmem>> -> memref<128x32xf32, #tpu.memory_space<vmem>>
      %dma_wait3A_292 = arith.constant 128 : i32
      %dma_wait3A_293 = tpu.memref_slice %arg5[%add3A_176, %dma_wait3A_292] : memref<50x512xi32, #tpu.memory_space<vmem>> -> memref<1x128xi32, #tpu.memory_space<vmem>>
      %dma_wait3A_294 = tpu.memref_squeeze %dma_wait3A_293 : memref<1x128xi32, #tpu.memory_space<vmem>> -> memref<128xi32, #tpu.memory_space<vmem>>
      %dma_wait3A_295 = arith.constant 0 : i32
      %dma_wait3A_296 = arith.constant 0 : i32
      %dma_wait3A_297 = tpu.memref_slice %arg3[%dma_wait3A_295, %dma_wait3A_296] : memref<1000000x32xf32, #tpu.memory_space<hbm>> -> memref<1000000x32xf32, #tpu.memory_space<hbm>>
      tpu.wait_indirect_dma semaphore(%arg11 : memref<!tpu.dma_semaphore, #tpu.memory_space<semaphore_mem>>) src(%dma_wait3A_297 : memref<1000000x32xf32, #tpu.memory_space<hbm>>) dst(%dma_wait3A_291 : memref<128x32xf32, #tpu.memory_space<vmem>>)
      %dma_wait3A_298 = arith.constant 256 : i32
      %dma_wait3A_299 = arith.constant 0 : i32
      %dma_wait3A_300 = tpu.memref_slice %arg7[%dma_wait3A_298, %dma_wait3A_299] : memref<512x32xf32, #tpu.memory_space<vmem>> -> memref<128x32xf32, #tpu.memory_space<vmem>>
      %dma_wait3A_301 = arith.constant 256 : i32
      %dma_wait3A_302 = tpu.memref_slice %arg5[%add3A_176, %dma_wait3A_301] : memref<50x512xi32, #tpu.memory_space<vmem>> -> memref<1x128xi32, #tpu.memory_space<vmem>>
      %dma_wait3A_303 = tpu.memref_squeeze %dma_wait3A_302 : memref<1x128xi32, #tpu.memory_space<vmem>> -> memref<128xi32, #tpu.memory_space<vmem>>
      %dma_wait3A_304 = arith.constant 0 : i32
      %dma_wait3A_305 = arith.constant 0 : i32
      %dma_wait3A_306 = tpu.memref_slice %arg3[%dma_wait3A_304, %dma_wait3A_305] : memref<1000000x32xf32, #tpu.memory_space<hbm>> -> memref<1000000x32xf32, #tpu.memory_space<hbm>>
      tpu.wait_indirect_dma semaphore(%arg11 : memref<!tpu.dma_semaphore, #tpu.memory_space<semaphore_mem>>) src(%dma_wait3A_306 : memref<1000000x32xf32, #tpu.memory_space<hbm>>) dst(%dma_wait3A_300 : memref<128x32xf32, #tpu.memory_space<vmem>>)
      %dma_wait3A_307 = arith.constant 384 : i32
      %dma_wait3A_308 = arith.constant 0 : i32
      %dma_wait3A_309 = tpu.memref_slice %arg7[%dma_wait3A_307, %dma_wait3A_308] : memref<512x32xf32, #tpu.memory_space<vmem>> -> memref<128x32xf32, #tpu.memory_space<vmem>>
      %dma_wait3A_310 = arith.constant 384 : i32
      %dma_wait3A_311 = tpu.memref_slice %arg5[%add3A_176, %dma_wait3A_310] : memref<50x512xi32, #tpu.memory_space<vmem>> -> memref<1x128xi32, #tpu.memory_space<vmem>>
      %dma_wait3A_312 = tpu.memref_squeeze %dma_wait3A_311 : memref<1x128xi32, #tpu.memory_space<vmem>> -> memref<128xi32, #tpu.memory_space<vmem>>
      %dma_wait3A_313 = arith.constant 0 : i32
      %dma_wait3A_314 = arith.constant 0 : i32
      %dma_wait3A_315 = tpu.memref_slice %arg3[%dma_wait3A_313, %dma_wait3A_314] : memref<1000000x32xf32, #tpu.memory_space<hbm>> -> memref<1000000x32xf32, #tpu.memory_space<hbm>>
      tpu.wait_indirect_dma semaphore(%arg11 : memref<!tpu.dma_semaphore, #tpu.memory_space<semaphore_mem>>) src(%dma_wait3A_315 : memref<1000000x32xf32, #tpu.memory_space<hbm>>) dst(%dma_wait3A_309 : memref<128x32xf32, #tpu.memory_space<vmem>>)
    }
    %scan3A_8 = arith.constant 25 : i32
    %dma_wait3A = arith.constant 0 : i32
    %dma_wait3A_9 = arith.constant 0 : i32
    %dma_wait3A_10 = tpu.memref_slice %arg4[%dma_wait3A, %dma_wait3A_9, %mul3A_4] : memref<50x4x131072xf32, #tpu.memory_space<hbm>> -> memref<1x4x4096xf32, #tpu.memory_space<hbm>>
    %dma_wait3A_11 = tpu.memref_squeeze %dma_wait3A_10 : memref<1x4x4096xf32, #tpu.memory_space<hbm>> -> memref<4x4096xf32, #tpu.memory_space<hbm>>
    %dma_wait3A_12 = arith.constant 0 : i32
    %dma_wait3A_13 = tpu.memref_slice %arg4[%dma_wait3A, %dma_wait3A_12, %mul3A_4] : memref<50x4x131072xf32, #tpu.memory_space<hbm>> -> memref<1x4x4096xf32, #tpu.memory_space<hbm>>
    %dma_wait3A_14 = tpu.memref_squeeze %dma_wait3A_13 : memref<1x4x4096xf32, #tpu.memory_space<hbm>> -> memref<4x4096xf32, #tpu.memory_space<hbm>>
    tpu.wait_dma2 semaphore(%arg13 : memref<!tpu.dma_semaphore, #tpu.memory_space<semaphore_mem>>) src(%arg9 : memref<4x4096xf32, #tpu.memory_space<vmem>>) dst(%dma_wait3A_14 : memref<4x4096xf32, #tpu.memory_space<hbm>>)
    %shift_right_arithmetic3A = arith.constant 3 : i32
    %shift_right_arithmetic3A_15 = vector.broadcast %shift_right_arithmetic3A : i32 to vector<16xi32>
    %shift_right_arithmetic3A_16 = arith.shrsi %iota3A, %shift_right_arithmetic3A_15 : vector<16xi32>
    %and3A = arith.constant 7 : i32
    %and3A_17 = vector.broadcast %and3A : i32 to vector<16xi32>
    %and3A_18 = arith.andi %iota3A, %and3A_17 : vector<16xi32>
    %shift_left3A = arith.constant 7 : i32
    %shift_left3A_19 = vector.broadcast %shift_left3A : i32 to vector<16xi32>
    %shift_left3A_20 = arith.shli %and3A_18, %shift_left3A_19 : vector<16xi32>
    %scan3A_21 = arith.constant 0 : i32
    %scan3A_22 = arith.constant 512 : i32
    %scan3A_23 = arith.addi %scan3A_21, %scan3A_22 : i32
    %scan3A_24 = arith.constant 8 : i32
    scf.for %scan3A_91 = %scan3A_21 to %scan3A_23 step %scan3A_24  : i32 {
      %mul3A_92 = arith.constant 1 : i32
      %mul3A_93 = arith.muli %scan3A_91, %mul3A_92 : i32
      %add3A_94 = arith.constant 0 : i32
      %add3A_95 = arith.addi %add3A_94, %mul3A_93 : i32
      %shift_right_arithmetic3A_96 = arith.constant 7 : i32
      %shift_right_arithmetic3A_97 = arith.shrsi %add3A_95, %shift_right_arithmetic3A_96 : i32
      %shift_left3A_98 = arith.constant 10 : i32
      %shift_left3A_99 = arith.shli %shift_right_arithmetic3A_97, %shift_left3A_98 : i32
      %and3A_100 = arith.constant 127 : i32
      %and3A_101 = arith.andi %add3A_95, %and3A_100 : i32
      %add3A_102 = arith.addi %shift_left3A_99, %and3A_101 : i32
      %broadcast_in_dim3A = vector.broadcast %add3A_102 : i32 to vector<16xi32>
      %add3A_103 = arith.addi %shift_left3A_20, %broadcast_in_dim3A : vector<16xi32>
      %get3A = arith.index_cast %add3A_95 : i32 to index
      %get3A_104 = arith.constant 0 : index
      %get3A_105 = tpu.vector_load %arg7[%get3A, %get3A_104] {strides = array<i32>} : memref<512x32xf32, #tpu.memory_space<vmem>>, vector<16xf32>,
      %get3A_106 = arith.index_cast %add3A_95 : i32 to index
      %get3A_107 = arith.constant 16 : index
      %get3A_108 = tpu.vector_load %arg7[%get3A_106, %get3A_107] {strides = array<i32>} : memref<512x32xf32, #tpu.memory_space<vmem>>, vector<16xf32>,
      tpu.vector_store_idx %arg9[%shift_right_arithmetic3A_16, %add3A_103], %get3A_105 : memref<4x4096xf32, #tpu.memory_space<vmem>>[vector<16xi32>, vector<16xi32>], vector<16xf32>,
      %add3A_109 = arith.constant 2 : i32
      %add3A_110 = vector.broadcast %add3A_109 : i32 to vector<16xi32>
      %add3A_111 = arith.addi %shift_right_arithmetic3A_16, %add3A_110 : vector<16xi32>
      tpu.vector_store_idx %arg9[%add3A_111, %add3A_103], %get3A_108 : memref<4x4096xf32, #tpu.memory_space<vmem>>[vector<16xi32>, vector<16xi32>], vector<16xf32>,
      %scan3A_112 = arith.constant 1 : i32
      %scan3A_113 = arith.addi %scan3A_91, %scan3A_112 : i32
      %mul3A_114 = arith.constant 1 : i32
      %mul3A_115 = arith.muli %scan3A_113, %mul3A_114 : i32
      %add3A_116 = arith.constant 0 : i32
      %add3A_117 = arith.addi %add3A_116, %mul3A_115 : i32
      %shift_right_arithmetic3A_118 = arith.constant 7 : i32
      %shift_right_arithmetic3A_119 = arith.shrsi %add3A_117, %shift_right_arithmetic3A_118 : i32
      %shift_left3A_120 = arith.constant 10 : i32
      %shift_left3A_121 = arith.shli %shift_right_arithmetic3A_119, %shift_left3A_120 : i32
      %and3A_122 = arith.constant 127 : i32
      %and3A_123 = arith.andi %add3A_117, %and3A_122 : i32
      %add3A_124 = arith.addi %shift_left3A_121, %and3A_123 : i32
      %broadcast_in_dim3A_125 = vector.broadcast %add3A_124 : i32 to vector<16xi32>
      %add3A_126 = arith.addi %shift_left3A_20, %broadcast_in_dim3A_125 : vector<16xi32>
      %get3A_127 = arith.index_cast %add3A_117 : i32 to index
      %get3A_128 = arith.constant 0 : index
      %get3A_129 = tpu.vector_load %arg7[%get3A_127, %get3A_128] {strides = array<i32>} : memref<512x32xf32, #tpu.memory_space<vmem>>, vector<16xf32>,
      %get3A_130 = arith.index_cast %add3A_117 : i32 to index
      %get3A_131 = arith.constant 16 : index
      %get3A_132 = tpu.vector_load %arg7[%get3A_130, %get3A_131] {strides = array<i32>} : memref<512x32xf32, #tpu.memory_space<vmem>>, vector<16xf32>,
      tpu.vector_store_idx %arg9[%shift_right_arithmetic3A_16, %add3A_126], %get3A_129 : memref<4x4096xf32, #tpu.memory_space<vmem>>[vector<16xi32>, vector<16xi32>], vector<16xf32>,
      %add3A_133 = arith.constant 2 : i32
      %add3A_134 = vector.broadcast %add3A_133 : i32 to vector<16xi32>
      %add3A_135 = arith.addi %shift_right_arithmetic3A_16, %add3A_134 : vector<16xi32>
      tpu.vector_store_idx %arg9[%add3A_135, %add3A_126], %get3A_132 : memref<4x4096xf32, #tpu.memory_space<vmem>>[vector<16xi32>, vector<16xi32>], vector<16xf32>,
      %scan3A_136 = arith.constant 2 : i32
      %scan3A_137 = arith.addi %scan3A_91, %scan3A_136 : i32
      %mul3A_138 = arith.constant 1 : i32
      %mul3A_139 = arith.muli %scan3A_137, %mul3A_138 : i32
      %add3A_140 = arith.constant 0 : i32
      %add3A_141 = arith.addi %add3A_140, %mul3A_139 : i32
      %shift_right_arithmetic3A_142 = arith.constant 7 : i32
      %shift_right_arithmetic3A_143 = arith.shrsi %add3A_141, %shift_right_arithmetic3A_142 : i32
      %shift_left3A_144 = arith.constant 10 : i32
      %shift_left3A_145 = arith.shli %shift_right_arithmetic3A_143, %shift_left3A_144 : i32
      %and3A_146 = arith.constant 127 : i32
      %and3A_147 = arith.andi %add3A_141, %and3A_146 : i32
      %add3A_148 = arith.addi %shift_left3A_145, %and3A_147 : i32
      %broadcast_in_dim3A_149 = vector.broadcast %add3A_148 : i32 to vector<16xi32>
      %add3A_150 = arith.addi %shift_left3A_20, %broadcast_in_dim3A_149 : vector<16xi32>
      %get3A_151 = arith.index_cast %add3A_141 : i32 to index
      %get3A_152 = arith.constant 0 : index
      %get3A_153 = tpu.vector_load %arg7[%get3A_151, %get3A_152] {strides = array<i32>} : memref<512x32xf32, #tpu.memory_space<vmem>>, vector<16xf32>,
      %get3A_154 = arith.index_cast %add3A_141 : i32 to index
      %get3A_155 = arith.constant 16 : index
      %get3A_156 = tpu.vector_load %arg7[%get3A_154, %get3A_155] {strides = array<i32>} : memref<512x32xf32, #tpu.memory_space<vmem>>, vector<16xf32>,
      tpu.vector_store_idx %arg9[%shift_right_arithmetic3A_16, %add3A_150], %get3A_153 : memref<4x4096xf32, #tpu.memory_space<vmem>>[vector<16xi32>, vector<16xi32>], vector<16xf32>,
      %add3A_157 = arith.constant 2 : i32
      %add3A_158 = vector.broadcast %add3A_157 : i32 to vector<16xi32>
      %add3A_159 = arith.addi %shift_right_arithmetic3A_16, %add3A_158 : vector<16xi32>
      tpu.vector_store_idx %arg9[%add3A_159, %add3A_150], %get3A_156 : memref<4x4096xf32, #tpu.memory_space<vmem>>[vector<16xi32>, vector<16xi32>], vector<16xf32>,
      %scan3A_160 = arith.constant 3 : i32
      %scan3A_161 = arith.addi %scan3A_91, %scan3A_160 : i32
      %mul3A_162 = arith.constant 1 : i32
      %mul3A_163 = arith.muli %scan3A_161, %mul3A_162 : i32
      %add3A_164 = arith.constant 0 : i32
      %add3A_165 = arith.addi %add3A_164, %mul3A_163 : i32
      %shift_right_arithmetic3A_166 = arith.constant 7 : i32
      %shift_right_arithmetic3A_167 = arith.shrsi %add3A_165, %shift_right_arithmetic3A_166 : i32
      %shift_left3A_168 = arith.constant 10 : i32
      %shift_left3A_169 = arith.shli %shift_right_arithmetic3A_167, %shift_left3A_168 : i32
      %and3A_170 = arith.constant 127 : i32
      %and3A_171 = arith.andi %add3A_165, %and3A_170 : i32
      %add3A_172 = arith.addi %shift_left3A_169, %and3A_171 : i32
      %broadcast_in_dim3A_173 = vector.broadcast %add3A_172 : i32 to vector<16xi32>
      %add3A_174 = arith.addi %shift_left3A_20, %broadcast_in_dim3A_173 : vector<16xi32>
      %get3A_175 = arith.index_cast %add3A_165 : i32 to index
      %get3A_176 = arith.constant 0 : index
      %get3A_177 = tpu.vector_load %arg7[%get3A_175, %get3A_176] {strides = array<i32>} : memref<512x32xf32, #tpu.memory_space<vmem>>, vector<16xf32>,
      %get3A_178 = arith.index_cast %add3A_165 : i32 to index
      %get3A_179 = arith.constant 16 : index
      %get3A_180 = tpu.vector_load %arg7[%get3A_178, %get3A_179] {strides = array<i32>} : memref<512x32xf32, #tpu.memory_space<vmem>>, vector<16xf32>,
      tpu.vector_store_idx %arg9[%shift_right_arithmetic3A_16, %add3A_174], %get3A_177 : memref<4x4096xf32, #tpu.memory_space<vmem>>[vector<16xi32>, vector<16xi32>], vector<16xf32>,
      %add3A_181 = arith.constant 2 : i32
      %add3A_182 = vector.broadcast %add3A_181 : i32 to vector<16xi32>
      %add3A_183 = arith.addi %shift_right_arithmetic3A_16, %add3A_182 : vector<16xi32>
      tpu.vector_store_idx %arg9[%add3A_183, %add3A_174], %get3A_180 : memref<4x4096xf32, #tpu.memory_space<vmem>>[vector<16xi32>, vector<16xi32>], vector<16xf32>,
      %scan3A_184 = arith.constant 4 : i32
      %scan3A_185 = arith.addi %scan3A_91, %scan3A_184 : i32
      %mul3A_186 = arith.constant 1 : i32
      %mul3A_187 = arith.muli %scan3A_185, %mul3A_186 : i32
      %add3A_188 = arith.constant 0 : i32
      %add3A_189 = arith.addi %add3A_188, %mul3A_187 : i32
      %shift_right_arithmetic3A_190 = arith.constant 7 : i32
      %shift_right_arithmetic3A_191 = arith.shrsi %add3A_189, %shift_right_arithmetic3A_190 : i32
      %shift_left3A_192 = arith.constant 10 : i32
      %shift_left3A_193 = arith.shli %shift_right_arithmetic3A_191, %shift_left3A_192 : i32
      %and3A_194 = arith.constant 127 : i32
      %and3A_195 = arith.andi %add3A_189, %and3A_194 : i32
      %add3A_196 = arith.addi %shift_left3A_193, %and3A_195 : i32
      %broadcast_in_dim3A_197 = vector.broadcast %add3A_196 : i32 to vector<16xi32>
      %add3A_198 = arith.addi %shift_left3A_20, %broadcast_in_dim3A_197 : vector<16xi32>
      %get3A_199 = arith.index_cast %add3A_189 : i32 to index
      %get3A_200 = arith.constant 0 : index
      %get3A_201 = tpu.vector_load %arg7[%get3A_199, %get3A_200] {strides = array<i32>} : memref<512x32xf32, #tpu.memory_space<vmem>>, vector<16xf32>,
      %get3A_202 = arith.index_cast %add3A_189 : i32 to index
      %get3A_203 = arith.constant 16 : index
      %get3A_204 = tpu.vector_load %arg7[%get3A_202, %get3A_203] {strides = array<i32>} : memref<512x32xf32, #tpu.memory_space<vmem>>, vector<16xf32>,
      tpu.vector_store_idx %arg9[%shift_right_arithmetic3A_16, %add3A_198], %get3A_201 : memref<4x4096xf32, #tpu.memory_space<vmem>>[vector<16xi32>, vector<16xi32>], vector<16xf32>,
      %add3A_205 = arith.constant 2 : i32
      %add3A_206 = vector.broadcast %add3A_205 : i32 to vector<16xi32>
      %add3A_207 = arith.addi %shift_right_arithmetic3A_16, %add3A_206 : vector<16xi32>
      tpu.vector_store_idx %arg9[%add3A_207, %add3A_198], %get3A_204 : memref<4x4096xf32, #tpu.memory_space<vmem>>[vector<16xi32>, vector<16xi32>], vector<16xf32>,
      %scan3A_208 = arith.constant 5 : i32
      %scan3A_209 = arith.addi %scan3A_91, %scan3A_208 : i32
      %mul3A_210 = arith.constant 1 : i32
      %mul3A_211 = arith.muli %scan3A_209, %mul3A_210 : i32
      %add3A_212 = arith.constant 0 : i32
      %add3A_213 = arith.addi %add3A_212, %mul3A_211 : i32
      %shift_right_arithmetic3A_214 = arith.constant 7 : i32
      %shift_right_arithmetic3A_215 = arith.shrsi %add3A_213, %shift_right_arithmetic3A_214 : i32
      %shift_left3A_216 = arith.constant 10 : i32
      %shift_left3A_217 = arith.shli %shift_right_arithmetic3A_215, %shift_left3A_216 : i32
      %and3A_218 = arith.constant 127 : i32
      %and3A_219 = arith.andi %add3A_213, %and3A_218 : i32
      %add3A_220 = arith.addi %shift_left3A_217, %and3A_219 : i32
      %broadcast_in_dim3A_221 = vector.broadcast %add3A_220 : i32 to vector<16xi32>
      %add3A_222 = arith.addi %shift_left3A_20, %broadcast_in_dim3A_221 : vector<16xi32>
      %get3A_223 = arith.index_cast %add3A_213 : i32 to index
      %get3A_224 = arith.constant 0 : index
      %get3A_225 = tpu.vector_load %arg7[%get3A_223, %get3A_224] {strides = array<i32>} : memref<512x32xf32, #tpu.memory_space<vmem>>, vector<16xf32>,
      %get3A_226 = arith.index_cast %add3A_213 : i32 to index
      %get3A_227 = arith.constant 16 : index
      %get3A_228 = tpu.vector_load %arg7[%get3A_226, %get3A_227] {strides = array<i32>} : memref<512x32xf32, #tpu.memory_space<vmem>>, vector<16xf32>,
      tpu.vector_store_idx %arg9[%shift_right_arithmetic3A_16, %add3A_222], %get3A_225 : memref<4x4096xf32, #tpu.memory_space<vmem>>[vector<16xi32>, vector<16xi32>], vector<16xf32>,
      %add3A_229 = arith.constant 2 : i32
      %add3A_230 = vector.broadcast %add3A_229 : i32 to vector<16xi32>
      %add3A_231 = arith.addi %shift_right_arithmetic3A_16, %add3A_230 : vector<16xi32>
      tpu.vector_store_idx %arg9[%add3A_231, %add3A_222], %get3A_228 : memref<4x4096xf32, #tpu.memory_space<vmem>>[vector<16xi32>, vector<16xi32>], vector<16xf32>,
      %scan3A_232 = arith.constant 6 : i32
      %scan3A_233 = arith.addi %scan3A_91, %scan3A_232 : i32
      %mul3A_234 = arith.constant 1 : i32
      %mul3A_235 = arith.muli %scan3A_233, %mul3A_234 : i32
      %add3A_236 = arith.constant 0 : i32
      %add3A_237 = arith.addi %add3A_236, %mul3A_235 : i32
      %shift_right_arithmetic3A_238 = arith.constant 7 : i32
      %shift_right_arithmetic3A_239 = arith.shrsi %add3A_237, %shift_right_arithmetic3A_238 : i32
      %shift_left3A_240 = arith.constant 10 : i32
      %shift_left3A_241 = arith.shli %shift_right_arithmetic3A_239, %shift_left3A_240 : i32
      %and3A_242 = arith.constant 127 : i32
      %and3A_243 = arith.andi %add3A_237, %and3A_242 : i32
      %add3A_244 = arith.addi %shift_left3A_241, %and3A_243 : i32
      %broadcast_in_dim3A_245 = vector.broadcast %add3A_244 : i32 to vector<16xi32>
      %add3A_246 = arith.addi %shift_left3A_20, %broadcast_in_dim3A_245 : vector<16xi32>
      %get3A_247 = arith.index_cast %add3A_237 : i32 to index
      %get3A_248 = arith.constant 0 : index
      %get3A_249 = tpu.vector_load %arg7[%get3A_247, %get3A_248] {strides = array<i32>} : memref<512x32xf32, #tpu.memory_space<vmem>>, vector<16xf32>,
      %get3A_250 = arith.index_cast %add3A_237 : i32 to index
      %get3A_251 = arith.constant 16 : index
      %get3A_252 = tpu.vector_load %arg7[%get3A_250, %get3A_251] {strides = array<i32>} : memref<512x32xf32, #tpu.memory_space<vmem>>, vector<16xf32>,
      tpu.vector_store_idx %arg9[%shift_right_arithmetic3A_16, %add3A_246], %get3A_249 : memref<4x4096xf32, #tpu.memory_space<vmem>>[vector<16xi32>, vector<16xi32>], vector<16xf32>,
      %add3A_253 = arith.constant 2 : i32
      %add3A_254 = vector.broadcast %add3A_253 : i32 to vector<16xi32>
      %add3A_255 = arith.addi %shift_right_arithmetic3A_16, %add3A_254 : vector<16xi32>
      tpu.vector_store_idx %arg9[%add3A_255, %add3A_246], %get3A_252 : memref<4x4096xf32, #tpu.memory_space<vmem>>[vector<16xi32>, vector<16xi32>], vector<16xf32>,
      %scan3A_256 = arith.constant 7 : i32
      %scan3A_257 = arith.addi %scan3A_91, %scan3A_256 : i32
      %mul3A_258 = arith.constant 1 : i32
      %mul3A_259 = arith.muli %scan3A_257, %mul3A_258 : i32
      %add3A_260 = arith.constant 0 : i32
      %add3A_261 = arith.addi %add3A_260, %mul3A_259 : i32
      %shift_right_arithmetic3A_262 = arith.constant 7 : i32
      %shift_right_arithmetic3A_263 = arith.shrsi %add3A_261, %shift_right_arithmetic3A_262 : i32
      %shift_left3A_264 = arith.constant 10 : i32
      %shift_left3A_265 = arith.shli %shift_right_arithmetic3A_263, %shift_left3A_264 : i32
      %and3A_266 = arith.constant 127 : i32
      %and3A_267 = arith.andi %add3A_261, %and3A_266 : i32
      %add3A_268 = arith.addi %shift_left3A_265, %and3A_267 : i32
      %broadcast_in_dim3A_269 = vector.broadcast %add3A_268 : i32 to vector<16xi32>
      %add3A_270 = arith.addi %shift_left3A_20, %broadcast_in_dim3A_269 : vector<16xi32>
      %get3A_271 = arith.index_cast %add3A_261 : i32 to index
      %get3A_272 = arith.constant 0 : index
      %get3A_273 = tpu.vector_load %arg7[%get3A_271, %get3A_272] {strides = array<i32>} : memref<512x32xf32, #tpu.memory_space<vmem>>, vector<16xf32>,
      %get3A_274 = arith.index_cast %add3A_261 : i32 to index
      %get3A_275 = arith.constant 16 : index
      %get3A_276 = tpu.vector_load %arg7[%get3A_274, %get3A_275] {strides = array<i32>} : memref<512x32xf32, #tpu.memory_space<vmem>>, vector<16xf32>,
      tpu.vector_store_idx %arg9[%shift_right_arithmetic3A_16, %add3A_270], %get3A_273 : memref<4x4096xf32, #tpu.memory_space<vmem>>[vector<16xi32>, vector<16xi32>], vector<16xf32>,
      %add3A_277 = arith.constant 2 : i32
      %add3A_278 = vector.broadcast %add3A_277 : i32 to vector<16xi32>
      %add3A_279 = arith.addi %shift_right_arithmetic3A_16, %add3A_278 : vector<16xi32>
      tpu.vector_store_idx %arg9[%add3A_279, %add3A_270], %get3A_276 : memref<4x4096xf32, #tpu.memory_space<vmem>>[vector<16xi32>, vector<16xi32>], vector<16xf32>,
    }
    %scan3A_25 = arith.constant 512 : i32
    %dma_start3A = arith.constant 0 : i32
    %dma_start3A_26 = arith.constant 49 : i32
    %dma_start3A_27 = arith.constant 0 : i32
    %dma_start3A_28 = arith.constant 0 : i32
    %dma_start3A_29 = tpu.memref_slice %arg9[%dma_start3A, %dma_start3A_28] : memref<4x4096xf32, #tpu.memory_space<vmem>> -> memref<1x4096xf32, #tpu.memory_space<vmem>>
    %dma_start3A_30 = tpu.memref_squeeze %dma_start3A_29 : memref<1x4096xf32, #tpu.memory_space<vmem>> -> memref<4096xf32, #tpu.memory_space<vmem>>
    %dma_start3A_31 = tpu.memref_slice %arg4[%dma_start3A_26, %dma_start3A_27, %mul3A_4] : memref<50x4x131072xf32, #tpu.memory_space<hbm>> -> memref<1x1x4096xf32, #tpu.memory_space<hbm>>
    %dma_start3A_32 = tpu.memref_squeeze %dma_start3A_31 : memref<1x1x4096xf32, #tpu.memory_space<hbm>> -> memref<4096xf32, #tpu.memory_space<hbm>>
    %dma_start3A_33 = tpu.memref_slice %arg4[%dma_start3A_26, %dma_start3A_27, %mul3A_4] : memref<50x4x131072xf32, #tpu.memory_space<hbm>> -> memref<1x1x4096xf32, #tpu.memory_space<hbm>>
    %dma_start3A_34 = tpu.memref_squeeze %dma_start3A_33 : memref<1x1x4096xf32, #tpu.memory_space<hbm>> -> memref<4096xf32, #tpu.memory_space<hbm>>
    %dma_start3A_35 = arith.constant 0 : i32
    %dma_start3A_36 = tpu.memref_slice %arg9[%dma_start3A, %dma_start3A_35] : memref<4x4096xf32, #tpu.memory_space<vmem>> -> memref<1x4096xf32, #tpu.memory_space<vmem>>
    %dma_start3A_37 = tpu.memref_squeeze %dma_start3A_36 : memref<1x4096xf32, #tpu.memory_space<vmem>> -> memref<4096xf32, #tpu.memory_space<vmem>>
    tpu.enqueue_dma source(%dma_start3A_37 : memref<4096xf32, #tpu.memory_space<vmem>>) target(%dma_start3A_34 : memref<4096xf32, #tpu.memory_space<hbm>>) target_semaphore(%arg13 : memref<!tpu.dma_semaphore, #tpu.memory_space<semaphore_mem>>)
    %dma_start3A_38 = arith.constant 1 : i32
    %dma_start3A_39 = arith.constant 49 : i32
    %dma_start3A_40 = arith.constant 1 : i32
    %dma_start3A_41 = arith.constant 0 : i32
    %dma_start3A_42 = tpu.memref_slice %arg9[%dma_start3A_38, %dma_start3A_41] : memref<4x4096xf32, #tpu.memory_space<vmem>> -> memref<1x4096xf32, #tpu.memory_space<vmem>>
    %dma_start3A_43 = tpu.memref_squeeze %dma_start3A_42 : memref<1x4096xf32, #tpu.memory_space<vmem>> -> memref<4096xf32, #tpu.memory_space<vmem>>
    %dma_start3A_44 = tpu.memref_slice %arg4[%dma_start3A_39, %dma_start3A_40, %mul3A_4] : memref<50x4x131072xf32, #tpu.memory_space<hbm>> -> memref<1x1x4096xf32, #tpu.memory_space<hbm>>
    %dma_start3A_45 = tpu.memref_squeeze %dma_start3A_44 : memref<1x1x4096xf32, #tpu.memory_space<hbm>> -> memref<4096xf32, #tpu.memory_space<hbm>>
    %dma_start3A_46 = tpu.memref_slice %arg4[%dma_start3A_39, %dma_start3A_40, %mul3A_4] : memref<50x4x131072xf32, #tpu.memory_space<hbm>> -> memref<1x1x4096xf32, #tpu.memory_space<hbm>>
    %dma_start3A_47 = tpu.memref_squeeze %dma_start3A_46 : memref<1x1x4096xf32, #tpu.memory_space<hbm>> -> memref<4096xf32, #tpu.memory_space<hbm>>
    %dma_start3A_48 = arith.constant 0 : i32
    %dma_start3A_49 = tpu.memref_slice %arg9[%dma_start3A_38, %dma_start3A_48] : memref<4x4096xf32, #tpu.memory_space<vmem>> -> memref<1x4096xf32, #tpu.memory_space<vmem>>
    %dma_start3A_50 = tpu.memref_squeeze %dma_start3A_49 : memref<1x4096xf32, #tpu.memory_space<vmem>> -> memref<4096xf32, #tpu.memory_space<vmem>>
    tpu.enqueue_dma source(%dma_start3A_50 : memref<4096xf32, #tpu.memory_space<vmem>>) target(%dma_start3A_47 : memref<4096xf32, #tpu.memory_space<hbm>>) target_semaphore(%arg13 : memref<!tpu.dma_semaphore, #tpu.memory_space<semaphore_mem>>)
    %dma_start3A_51 = arith.constant 2 : i32
    %dma_start3A_52 = arith.constant 49 : i32
    %dma_start3A_53 = arith.constant 2 : i32
    %dma_start3A_54 = arith.constant 0 : i32
    %dma_start3A_55 = tpu.memref_slice %arg9[%dma_start3A_51, %dma_start3A_54] : memref<4x4096xf32, #tpu.memory_space<vmem>> -> memref<1x4096xf32, #tpu.memory_space<vmem>>
    %dma_start3A_56 = tpu.memref_squeeze %dma_start3A_55 : memref<1x4096xf32, #tpu.memory_space<vmem>> -> memref<4096xf32, #tpu.memory_space<vmem>>
    %dma_start3A_57 = tpu.memref_slice %arg4[%dma_start3A_52, %dma_start3A_53, %mul3A_4] : memref<50x4x131072xf32, #tpu.memory_space<hbm>> -> memref<1x1x4096xf32, #tpu.memory_space<hbm>>
    %dma_start3A_58 = tpu.memref_squeeze %dma_start3A_57 : memref<1x1x4096xf32, #tpu.memory_space<hbm>> -> memref<4096xf32, #tpu.memory_space<hbm>>
    %dma_start3A_59 = tpu.memref_slice %arg4[%dma_start3A_52, %dma_start3A_53, %mul3A_4] : memref<50x4x131072xf32, #tpu.memory_space<hbm>> -> memref<1x1x4096xf32, #tpu.memory_space<hbm>>
    %dma_start3A_60 = tpu.memref_squeeze %dma_start3A_59 : memref<1x1x4096xf32, #tpu.memory_space<hbm>> -> memref<4096xf32, #tpu.memory_space<hbm>>
    %dma_start3A_61 = arith.constant 0 : i32
    %dma_start3A_62 = tpu.memref_slice %arg9[%dma_start3A_51, %dma_start3A_61] : memref<4x4096xf32, #tpu.memory_space<vmem>> -> memref<1x4096xf32, #tpu.memory_space<vmem>>
    %dma_start3A_63 = tpu.memref_squeeze %dma_start3A_62 : memref<1x4096xf32, #tpu.memory_space<vmem>> -> memref<4096xf32, #tpu.memory_space<vmem>>
    tpu.enqueue_dma source(%dma_start3A_63 : memref<4096xf32, #tpu.memory_space<vmem>>) target(%dma_start3A_60 : memref<4096xf32, #tpu.memory_space<hbm>>) target_semaphore(%arg13 : memref<!tpu.dma_semaphore, #tpu.memory_space<semaphore_mem>>)
    %dma_start3A_64 = arith.constant 3 : i32
    %dma_start3A_65 = arith.constant 49 : i32
    %dma_start3A_66 = arith.constant 3 : i32
    %dma_start3A_67 = arith.constant 0 : i32
    %dma_start3A_68 = tpu.memref_slice %arg9[%dma_start3A_64, %dma_start3A_67] : memref<4x4096xf32, #tpu.memory_space<vmem>> -> memref<1x4096xf32, #tpu.memory_space<vmem>>
    %dma_start3A_69 = tpu.memref_squeeze %dma_start3A_68 : memref<1x4096xf32, #tpu.memory_space<vmem>> -> memref<4096xf32, #tpu.memory_space<vmem>>
    %dma_start3A_70 = tpu.memref_slice %arg4[%dma_start3A_65, %dma_start3A_66, %mul3A_4] : memref<50x4x131072xf32, #tpu.memory_space<hbm>> -> memref<1x1x4096xf32, #tpu.memory_space<hbm>>
    %dma_start3A_71 = tpu.memref_squeeze %dma_start3A_70 : memref<1x1x4096xf32, #tpu.memory_space<hbm>> -> memref<4096xf32, #tpu.memory_space<hbm>>
    %dma_start3A_72 = tpu.memref_slice %arg4[%dma_start3A_65, %dma_start3A_66, %mul3A_4] : memref<50x4x131072xf32, #tpu.memory_space<hbm>> -> memref<1x1x4096xf32, #tpu.memory_space<hbm>>
    %dma_start3A_73 = tpu.memref_squeeze %dma_start3A_72 : memref<1x1x4096xf32, #tpu.memory_space<hbm>> -> memref<4096xf32, #tpu.memory_space<hbm>>
    %dma_start3A_74 = arith.constant 0 : i32
    %dma_start3A_75 = tpu.memref_slice %arg9[%dma_start3A_64, %dma_start3A_74] : memref<4x4096xf32, #tpu.memory_space<vmem>> -> memref<1x4096xf32, #tpu.memory_space<vmem>>
    %dma_start3A_76 = tpu.memref_squeeze %dma_start3A_75 : memref<1x4096xf32, #tpu.memory_space<vmem>> -> memref<4096xf32, #tpu.memory_space<vmem>>
    tpu.enqueue_dma source(%dma_start3A_76 : memref<4096xf32, #tpu.memory_space<vmem>>) target(%dma_start3A_73 : memref<4096xf32, #tpu.memory_space<hbm>>) target_semaphore(%arg13 : memref<!tpu.dma_semaphore, #tpu.memory_space<semaphore_mem>>)
    %dma_wait3A_77 = arith.constant 0 : i32
    %dma_wait3A_78 = arith.constant 0 : i32
    %dma_wait3A_79 = tpu.memref_slice %arg4[%dma_wait3A_77, %dma_wait3A_78, %mul3A_4] : memref<50x4x131072xf32, #tpu.memory_space<hbm>> -> memref<1x4x4096xf32, #tpu.memory_space<hbm>>
    %dma_wait3A_80 = tpu.memref_squeeze %dma_wait3A_79 : memref<1x4x4096xf32, #tpu.memory_space<hbm>> -> memref<4x4096xf32, #tpu.memory_space<hbm>>
    %dma_wait3A_81 = arith.constant 0 : i32
    %dma_wait3A_82 = tpu.memref_slice %arg4[%dma_wait3A_77, %dma_wait3A_81, %mul3A_4] : memref<50x4x131072xf32, #tpu.memory_space<hbm>> -> memref<1x4x4096xf32, #tpu.memory_space<hbm>>
    %dma_wait3A_83 = tpu.memref_squeeze %dma_wait3A_82 : memref<1x4x4096xf32, #tpu.memory_space<hbm>> -> memref<4x4096xf32, #tpu.memory_space<hbm>>
    tpu.wait_dma2 semaphore(%arg12 : memref<!tpu.dma_semaphore, #tpu.memory_space<semaphore_mem>>) src(%arg8 : memref<4x4096xf32, #tpu.memory_space<vmem>>) dst(%dma_wait3A_83 : memref<4x4096xf32, #tpu.memory_space<hbm>>)
    %dma_wait3A_84 = arith.constant 0 : i32
    %dma_wait3A_85 = arith.constant 0 : i32
    %dma_wait3A_86 = tpu.memref_slice %arg4[%dma_wait3A_84, %dma_wait3A_85, %mul3A_4] : memref<50x4x131072xf32, #tpu.memory_space<hbm>> -> memref<1x4x4096xf32, #tpu.memory_space<hbm>>
    %dma_wait3A_87 = tpu.memref_squeeze %dma_wait3A_86 : memref<1x4x4096xf32, #tpu.memory_space<hbm>> -> memref<4x4096xf32, #tpu.memory_space<hbm>>
    %dma_wait3A_88 = arith.constant 0 : i32
    %dma_wait3A_89 = tpu.memref_slice %arg4[%dma_wait3A_84, %dma_wait3A_88, %mul3A_4] : memref<50x4x131072xf32, #tpu.memory_space<hbm>> -> memref<1x4x4096xf32, #tpu.memory_space<hbm>>
    %dma_wait3A_90 = tpu.memref_squeeze %dma_wait3A_89 : memref<1x4x4096xf32, #tpu.memory_space<hbm>> -> memref<4x4096xf32, #tpu.memory_space<hbm>>
    tpu.wait_dma2 semaphore(%arg13 : memref<!tpu.dma_semaphore, #tpu.memory_space<semaphore_mem>>) src(%arg9 : memref<4x4096xf32, #tpu.memory_space<vmem>>) dst(%dma_wait3A_90 : memref<4x4096xf32, #tpu.memory_space<hbm>>)
    return
  }
}

</mosaic_0001>

<sc_bundles>
// kernel: kernel.3.cloned.1.call-start
scs
__scs_entry_jumppad:
0x0: {  	(pc) =	sbr.rel $0x88, $3  }
0x1: {  	(tag) =	ssettag $0x0;
	lr =	simm.s32 $0x1  }
0x2: {  	[smem:$0x3F9F] =	sst lr;
	_ =	strace $0xD0000000  }
0x3: {  	_ = 	snop  }
0x4: {  	_ = 	snop  }
0x5: {  	_ = 	snop  }
0x6: {  	_ = 	snop  }
0x7: {  	_ = 	snop  }
__scs_overlays_trampoline_lowered:
0x8: {  	[smem:$0x3FAE] =	sst s0  }
0x9: {  	[smem:$0x3FAF] =	sst s1  }
0xa: {  	[smem:$0x3FB0] =	sst s2  }
0xb: {  	[smem:$0x3FB1] =	sst s3  }
0xc: {  	[smem:$0x3FB2] =	sst s4  }
0xd: {  	[smem:$0x3FB3] =	sst s5  }
0xe: {  	[smem:$0x3FB4] =	sst s6  }
0xf: {  	[smem:$0x3FB5] =	sst s7  }
0x10: {  	[smem:$0x3FB6] =	sst s8  }
0x11: {  	[smem:$0x3FB7] =	sst s9;
	s0 =	simm.s32 @!p0 $0x0  }
0x12: {  	s1 =	sld [smem:$0x3F9D];
	s0 =	simm.s32 @p0 $0x1  }
0x13: {  	[smem:$0x3FB8] =	sst s0;
	s0 =	simm.s32 @!p1 $0x0  }
0x14: {  	s2 =	sld [smem:$0x3F9C];
	s0 =	simm.s32 @p1 $0x1  }
0x15: {  	[smem:$0x3FB9] =	sst s0;
	s0 =	simm.s32 @!p2 $0x0  }
0x16: {  	s3 =	sld [smem:$0x3FDB];
	s0 =	simm.s32 @p2 $0x1  }
0x17: {  	s4 =	simm.s32 $0x1BF5;
	[smem:$0x3FBB] =	sst s0  }
0x18: {  	s0 =	sld [smem:$0x3F9E];
	_ =	swait.ge [sflag:s4], $0x0  }
0x19: {  	s7 =	sld [smem:$0x3F9F]  }
0x1a: {  	s8 =	sadd.s32 $0xFFFFE003, lr  }
0x1b: {  	s9 =	sadd.s32 $0xFFFFFEF7, lr;
	s5 =	simm.s32 $0xFFFFFFFF;
	p2 =	slt.u32 s8, $0xFFFFF086  }
0x1c: {  	p1 =	slt.u32 s9, $0xF7A;
	s5 =	simm.s32 @!p2 $0x0  }
0x1d: {  	s5 =	simm.s32 @p1 $0x1;
	p0 =	seq.s32 s7, s2  }
0x1e: {  	s7 =	smul.u32 @!p0 $0xF7A, s2;
	p2 =	seq.s32 @!p0 s5, $0x0  }
0x1f: {  	s9 =	smul.u32 $0xF7A, s1;
	s8 =	simm.s32 @!p0 $0x1BF5;
	p2 =	por !p2, p0  }
0x20: {  	[sflag:s8] =	ssyncset.s32 @!p0 $0xFFFFF086;
	s6 =	sadd.s32 @!p0 s3, s7;
	s7 =	simm.s32 @!p0 $0x108  }
0x21: {  	s3 =	sadd.s32 s3, s9;
	s6 =	sadd.s32 @!p0 $0x88, s6;
	s7 =	simm.s32 @p2 $0x1082  }
0x22: {  	[simem:s7], [sflag:s8] =	dma.local @!p0 [hbm:s6], $0xF7A  }
0x23: {  	s9 =	sor.u32 $0xD0000000, s2;
	s6 =	simm.s32 $0x108;
	_ =	swait.ge @!p0 [sflag:s8], $0x0  }
0x24: {  	s3 =	sadd.s32 $0x88, s3;
	s6 =	simm.s32 @!p1 $0x1082;
	[sflag:s4] =	ssyncset.s32 $0xFFFFF086  }
0x25: {  	[simem:s6], [sflag:s4] =	dma.local [hbm:s3], $0xF7A  }
0x26: {  	[smem:$0x3F9F] =	sst s1;
	(tag) =	ssettag s2;
	_ =	strace s9  }
0x27: {  	s1 =	sld [smem:$0x3FAF]  }
0x28: {  	s2 =	sld [smem:$0x3FB0]  }
0x29: {  	s4 =	sld [smem:$0x3FB2]  }
0x2a: {  	p0 =	seq.s32 s5, $0x0;
	s5 =	sld [smem:$0x3FB3]  }
0x2b: {  	s6 =	sld [smem:$0x3FB4]  }
0x2c: {  	s7 =	sld [smem:$0x3FB5]  }
0x2d: {  	s3 =	simm.s32 $0x108;
	s8 =	sld [smem:$0x3FB6]  }
0x2e: {  	s3 =	simm.s32 @!p0 $0x1082;
	s9 =	sld [smem:$0x3FB7]  }
0x2f: {  	lr =	sadd.s32 s0, s3;
	s0 =	sld [smem:$0x3FAE]  }
0x30: {  	s3 =	sld [smem:$0x3FB1]  }
0x31: {  	[smem:$0x3FBA] =	sst s10  }
0x32: {  	s10 =	sld [smem:$0x3FB8];
	_ =	sdelay $0x3  }
0x33: {  	p0 =	seq.s32 s10, $0x1;
	s10 =	sld [smem:$0x3FBA];
	_ =	sdelay $0x3  }
0x34: {  	[smem:$0x3FBA] =	sst s10  }
0x35: {  	s10 =	sld [smem:$0x3FB9];
	_ =	sdelay $0x3  }
0x36: {  	p1 =	seq.s32 s10, $0x1;
	s10 =	sld [smem:$0x3FBA];
	_ =	sdelay $0x3  }
0x37: {  	[smem:$0x3FBA] =	sst s10  }
0x38: {  	s10 =	sld [smem:$0x3FBB]  }
0x39: {  	_ = 	snop;
	(pc) =	sbr.ind lr, $3  }
0x3a: {  	_ = 	snop  }
0x3b: {  	_ = 	snop  }
0x3c: {  	p2 =	seq.s32 s10, $0x1;
	s10 =	sld [smem:$0x3FBA]  }
0x3d: {  	_ =	shalt  }
0x3e: {  	_ =	shalt  }
0x3f: {  	_ =	shalt  }
0x40: {  	_ =	shalt  }
0x41: {  	_ =	shalt  }
0x42: {  	_ =	shalt  }
0x43: {  	_ =	shalt  }
0x44: {  	_ =	shalt  }
0x45: {  	_ =	shalt  }
0x46: {  	_ =	shalt  }
0x47: {  	_ =	shalt  }
0x48: {  	_ =	shalt  }
0x49: {  	_ =	shalt  }
0x4a: {  	_ =	shalt  }
0x4b: {  	_ =	shalt  }
0x4c: {  	_ =	shalt  }
0x4d: {  	_ =	shalt  }
0x4e: {  	_ =	shalt  }
0x4f: {  	_ =	shalt  }
0x50: {  	_ =	shalt  }
0x51: {  	_ =	shalt  }
0x52: {  	_ =	shalt  }
0x53: {  	_ =	shalt  }
0x54: {  	_ =	shalt  }
0x55: {  	_ =	shalt  }
0x56: {  	_ =	shalt  }
0x57: {  	_ =	shalt  }
0x58: {  	_ =	shalt  }
0x59: {  	_ =	shalt  }
0x5a: {  	_ =	shalt  }
0x5b: {  	_ =	shalt  }
0x5c: {  	_ =	shalt  }
0x5d: {  	_ =	shalt  }
0x5e: {  	_ =	shalt  }
0x5f: {  	_ =	shalt  }
0x60: {  	_ =	shalt  }
0x61: {  	_ =	shalt  }
0x62: {  	_ =	shalt  }
0x63: {  	_ =	shalt  }
0x64: {  	_ =	shalt  }
0x65: {  	_ =	shalt  }
0x66: {  	_ =	shalt  }
0x67: {  	_ =	shalt  }
0x68: {  	_ =	shalt  }
0x69: {  	_ =	shalt  }
0x6a: {  	_ =	shalt  }
0x6b: {  	_ =	shalt  }
0x6c: {  	_ =	shalt  }
0x6d: {  	_ =	shalt  }
0x6e: {  	_ =	shalt  }
0x6f: {  	_ =	shalt  }
0x70: {  	_ =	shalt  }
0x71: {  	_ =	shalt  }
0x72: {  	_ =	shalt  }
0x73: {  	_ =	shalt  }
0x74: {  	_ =	shalt  }
0x75: {  	_ =	shalt  }
0x76: {  	_ =	shalt  }
0x77: {  	_ =	shalt  }
0x78: {  	_ =	shalt  }
0x79: {  	_ =	shalt  }
0x7a: {  	_ =	shalt  }
0x7b: {  	_ =	shalt  }
0x7c: {  	_ =	shalt  }
0x7d: {  	_ =	shalt  }
0x7e: {  	_ =	shalt  }
0x7f: {  	_ =	shalt  }
0x80: {  	_ =	shalt  }
0x81: {  	_ =	shalt  }
0x82: {  	_ =	shalt  }
0x83: {  	_ =	shalt  }
0x84: {  	_ =	shalt  }
0x85: {  	_ =	shalt  }
0x86: {  	_ =	shalt  }
0x87: {  	_ =	shalt  }
.Lfunc_end0:
.L_simem_size_0:
called_computation_lowered:
.L_overlay_start_0:
0x88: {  	s2 =	sld [smem:$0x3FD9]  }
0x89: {  	s3 =	sld [smem:$0x3FFE];
	_ =	sdelay $0x1  }
0x8a: {  	s1 =	srdreg.scid  }
0x8b: {  	s0 =	sand.u32 $0x1, s1  }
0x8c: {  	s17 =	sshll.u32 s0, $0xA;
	s2 =	sadd.s32 s3, s2  }
0x8d: {  	s2 =	sadd.s32 s2, s17  }
0x8e: {  	[smem:$0x3FC6] =	sst s2  }
0x8f: {  	_ = 	snop  }
0x90: {  	s2 =	sld [smem:$0x3FD0];
	(tm) =	ssettm $0x1  }
0x91: {  	s18 =	sld [smem:$0x3FFB];
	_ =	sdelay $0x3  }
0x92: {  	_ =	strace s18  }
0x93: {  	s3 =	sld [smem:$0x3FFC];
	_ =	sdelay $0x3  }
0x94: {  	_ =	strace s3  }
0x95: {  	s3 =	sld [smem:$0x3FFD];
	_ =	sdelay $0x3  }
0x96: {  	_ =	strace s3  }
0x97: {  	_ =	strace $0x8FFFFFFF  }
0x98: {  	s19 =	sld [smem:$0x3FDB];
	_ =	sdelay $0x1  }
0x99: {  	s4 =	simm.s32 $_scs_section_size  }
0x9a: {  	s5 =	simm.s32 $_size__tile_overlayer_lowered;
	s6 =	simm.s32 $_tile_overlayer_lowered  }
0x9b: {  	s22 =	simm.s32 $0x1BFF;
	s21 =	sshll.u32 s6, $0x1;
	s3 =	sadd.s32 s4, s19  }
0x9c: {  	s7 =	simm.s32 $0x0;
	s20 =	sshll.u32 s5, $0x1;
	s5 =	sadd.s32 s21, s3  }
0x9d: {  	[timem:s7], [sflag:s22] =	dma.local [hbm:s5], s20  }
0x9e: {  	_ =	swait.ge [sflag:s22], s20  }
0x9f: {  	s4 =	ssub.s32 $0x0, s20;
	[sflag:s22] =	ssyncset.done $0x0  }
0xa0: {  	[sflag:s22] =	ssyncadd.s32 s4;
	_ =	sdelay $0x1  }
0xa1: {  	s23 =	simm.s32 $0x1B8B  }
0xa2: {  	_ =	swait.ge [sflag:s23], $0x1  }
0xa3: {  	[sflag:s23] =	ssyncset.done $0x0  }
0xa4: {  	s25 =	simm.s32 $0x1B8E;
	s24 =	sld [smem:$0x3FFE];
	[sflag:s23] =	ssyncadd.s32 $0xFFFFFFFF  }
0xa5: {  	s26 =	simm.s32 $execute0_lowered;
	[smem:$0x3FD2] =	sst s25  }
0xa6: {  	s5 =	sshll.u32 s26, $0x1;
	_ =	strace $0x80000046;
	[dreg:$0x1] =	wrdreg $0xFFFFFFFF  }
0xa7: {  	s28 =	simm.s32 $_size_execute0_lowered;
	s3 =	sadd.s32 s3, s5;
	[dreg:$0x0] =	wrdreg $0x0  }
0xa8: {  	s5 =	sshll.u32 s28, $0x1;
	[dreg:$0x2] =	wrdreg s3  }
0xa9: {  	[dreg:$0x3] =	wrdreg s5  }
0xaa: {  	[dreg:$0x4] =	wrdreg $0xC0  }
0xab: {  	_ =	task [dreg:s7], $0x5FFFF  }
0xac: {  	[dreg:$0x1] =	wrdreg $0xFFFFFFFF  }
0xad: {  	[dreg:$0x0] =	wrdreg $0x60  }
0xae: {  	[dreg:$0x2] =	wrdreg s24  }
0xaf: {  	[dreg:$0x3] =	wrdreg s2  }
0xb0: {  	[dreg:$0x4] =	wrdreg $0x9  }
0xb1: {  	_ =	task.clear_ibuf [dreg:s7], $0x5FFFF;
	_ =	strace $0x90000046  }
0xb2: {  	s29 =	simm.s32 $0x9;
	_ =	strace $0x80000048  }
0xb3: {  	_ =	swait.ge [sflag:s29], $0x1  }
0xb4: {  	[sflag:s29] =	ssyncadd.s32 $0xFFFFFFFF  }
0xb5: {  	_ =	strace $0x90000048  }
0xb6: {  	_ =	sfence  }
0xb7: {  	s30 =	sld [smem:$0x0];
	_ =	sdelay $0x2  }
0xb8: {  	s31 =	sshll.u32 s1, $0xD;
	s1 =	sshrl.u32 s1, $0x2  }
0xb9: {  	s3 =	sand.u32 $0x4000, s31;
	s1 =	sadd.s32 s1, s30  }
0xba: {  	s0 =	sor.u32 s3, s0;
	s1 =	sshll.u32 s1, $0x11  }
0xbb: {  	s0 =	sor.u32 s1, s0  }
0xbc: {  	s0 =	sadd.s32 $0x8F2B, s0  }
0xbd: {  	[sflag:s0] =	ssyncadd.remote.s32 $0x1  }
0xbe: {  	_ =	sfence.sel $0xFFFF  }
0xbf: {  	[dreg:$0x0] =	wrdreg $0xFFFFFFFF;
	(pc) =	sbr.abs _section_cstart, $3  }
0xc0: {  	[dreg:$0x1] =	wrdreg $0xFFFFFFFF  }
0xc1: {  	_ =	task.clear_ibuf [dreg:s7], $0x2FFFF;
	_ =	strace $0x9FFFFFFF  }
0xc2: {  	(tm) =	ssettm $0x7FFFFFFF  }
0xc3: {  	_ =	shalt  }
tec
execute0_lowered:
.L_overlay_start_1:
0x0: {  	(tag) =	ssettag $0x1  }
0x1: {  	v0 =	vimm.s32 $0x1380  }
0x2: {  	vm14 =	vcmask $0x300;
	vm13 =	vcmask $0x704;
	vm12 =	vcmask $0xB08  }
0x3: {  	vm11 =	vcmask $0xF0C;
	vm10 =	vcmask $0x1310;
	vm9 =	vcmask $0x1714  }
0x4: {  	vm8 =	vcmask $0x1B18;
	vm7 =	vcmask $0x1F1C;
	vm6 =	vcmask $0x2320  }
0x5: {  	vm5 =	vcmask $0x2724;
	vm4 =	vcmask $0x2B28;
	vm3 =	vcmask $0x2F2C  }
0x6: {  	vm2 =	vcmask $0x3330;
	vm1 =	vcmask $0x3734;
	vm0 =	vcmask $0x3B38  }
0x7: {  	v1 =	vimm.s32 $0x3380;
	v2 =	vimm.s32 $0x1381;
	v3 =	vimm.s32 $0x3381  }
0x8: {  	v4 =	vimm.s32 $0x1382;
	v5 =	vimm.s32 $0x3382;
	v6 =	vimm.s32 $0x1383  }
0x9: {  	v7 =	vimm.s32 $0x3383;
	v8 =	vimm.s32 $0x1384;
	v9 =	vimm.s32 $0x3384  }
0xa: {  	v10 =	vimm.s32 $0x1385;
	v11 =	vimm.s32 $0x3385;
	v12 =	vimm.s32 $0x1386  }
0xb: {  	v13 =	vimm.s32 $0x3386;
	v14 =	vimm.s32 $0x1387;
	v15 =	vimm.s32 $0x3387  }
0xc: {  	v0 =	vsel vm14, $0x0, v0;
	v1 =	vsel vm14, $0x2000, v1;
	v2 =	vsel vm14, $0x1, v2  }
0xd: {  	v3 =	vsel vm14, $0x2001, v3;
	v4 =	vsel vm14, $0x2, v4;
	v5 =	vsel vm14, $0x2002, v5  }
0xe: {  	v6 =	vsel vm14, $0x3, v6;
	v7 =	vsel vm14, $0x2003, v7;
	v8 =	vsel vm14, $0x4, v8  }
0xf: {  	v9 =	vsel vm14, $0x2004, v9;
	v10 =	vsel vm14, $0x5, v10;
	v11 =	vsel vm14, $0x2005, v11  }
0x10: {  	v12 =	vsel vm14, $0x6, v12;
	v13 =	vsel vm14, $0x2006, v13;
	v14 =	vsel vm14, $0x7, v14  }
0x11: {  	v15 =	vsel vm14, $0x2007, v15;
	v0 =	vsel vm13, $0x80, v0;
	v1 =	vsel vm13, $0x2080, v1  }
0x12: {  	v2 =	vsel vm13, $0x81, v2;
	v3 =	vsel vm13, $0x2081, v3;
	v4 =	vsel vm13, $0x82, v4  }
0x13: {  	v5 =	vsel vm13, $0x2082, v5;
	v6 =	vsel vm13, $0x83, v6;
	v7 =	vsel vm13, $0x2083, v7  }
0x14: {  	v8 =	vsel vm13, $0x84, v8;
	v9 =	vsel vm13, $0x2084, v9;
	v10 =	vsel vm13, $0x85, v10  }
0x15: {  	v11 =	vsel vm13, $0x2085, v11;
	v12 =	vsel vm13, $0x86, v12;
	v13 =	vsel vm13, $0x2086, v13  }
0x16: {  	v14 =	vsel vm13, $0x87, v14;
	v15 =	vsel vm13, $0x2087, v15;
	v0 =	vsel vm12, $0x100, v0  }
0x17: {  	v1 =	vsel vm12, $0x2100, v1;
	v2 =	vsel vm12, $0x101, v2;
	v3 =	vsel vm12, $0x2101, v3  }
0x18: {  	v4 =	vsel vm12, $0x102, v4;
	v5 =	vsel vm12, $0x2102, v5;
	v6 =	vsel vm12, $0x103, v6  }
0x19: {  	v7 =	vsel vm12, $0x2103, v7;
	v8 =	vsel vm12, $0x104, v8;
	v9 =	vsel vm12, $0x2104, v9  }
0x1a: {  	v10 =	vsel vm12, $0x105, v10;
	v11 =	vsel vm12, $0x2105, v11;
	v12 =	vsel vm12, $0x106, v12  }
0x1b: {  	v13 =	vsel vm12, $0x2106, v13;
	v14 =	vsel vm12, $0x107, v14;
	v15 =	vsel vm12, $0x2107, v15  }
0x1c: {  	v0 =	vsel vm11, $0x180, v0;
	v1 =	vsel vm11, $0x2180, v1;
	v2 =	vsel vm11, $0x181, v2  }
0x1d: {  	v3 =	vsel vm11, $0x2181, v3;
	v4 =	vsel vm11, $0x182, v4;
	v5 =	vsel vm11, $0x2182, v5  }
0x1e: {  	v6 =	vsel vm11, $0x183, v6;
	v7 =	vsel vm11, $0x2183, v7;
	v8 =	vsel vm11, $0x184, v8  }
0x1f: {  	v9 =	vsel vm11, $0x2184, v9;
	v10 =	vsel vm11, $0x185, v10;
	v11 =	vsel vm11, $0x2185, v11  }
0x20: {  	v12 =	vsel vm11, $0x186, v12;
	v13 =	vsel vm11, $0x2186, v13;
	v14 =	vsel vm11, $0x187, v14  }
0x21: {  	v15 =	vsel vm11, $0x2187, v15;
	v0 =	vsel vm10, $0x200, v0;
	v1 =	vsel vm10, $0x2200, v1  }
0x22: {  	v2 =	vsel vm10, $0x201, v2;
	v3 =	vsel vm10, $0x2201, v3;
	v4 =	vsel vm10, $0x202, v4  }
0x23: {  	v5 =	vsel vm10, $0x2202, v5;
	v6 =	vsel vm10, $0x203, v6;
	v7 =	vsel vm10, $0x2203, v7  }
0x24: {  	v8 =	vsel vm10, $0x204, v8;
	v9 =	vsel vm10, $0x2204, v9;
	v10 =	vsel vm10, $0x205, v10  }
0x25: {  	v11 =	vsel vm10, $0x2205, v11;
	v12 =	vsel vm10, $0x206, v12;
	v13 =	vsel vm10, $0x2206, v13  }
0x26: {  	v14 =	vsel vm10, $0x207, v14;
	v15 =	vsel vm10, $0x2207, v15;
	v0 =	vsel vm9, $0x280, v0  }
0x27: {  	v1 =	vsel vm9, $0x2280, v1;
	v2 =	vsel vm9, $0x281, v2;
	v3 =	vsel vm9, $0x2281, v3  }
0x28: {  	v4 =	vsel vm9, $0x282, v4;
	v5 =	vsel vm9, $0x2282, v5;
	v6 =	vsel vm9, $0x283, v6  }
0x29: {  	v7 =	vsel vm9, $0x2283, v7;
	v8 =	vsel vm9, $0x284, v8;
	v9 =	vsel vm9, $0x2284, v9  }
0x2a: {  	v10 =	vsel vm9, $0x285, v10;
	v11 =	vsel vm9, $0x2285, v11;
	v12 =	vsel vm9, $0x286, v12  }
0x2b: {  	v13 =	vsel vm9, $0x2286, v13;
	v14 =	vsel vm9, $0x287, v14;
	v15 =	vsel vm9, $0x2287, v15  }
0x2c: {  	v0 =	vsel vm8, $0x300, v0;
	v1 =	vsel vm8, $0x2300, v1;
	v2 =	vsel vm8, $0x301, v2  }
0x2d: {  	v3 =	vsel vm8, $0x2301, v3;
	v4 =	vsel vm8, $0x302, v4;
	v5 =	vsel vm8, $0x2302, v5  }
0x2e: {  	v6 =	vsel vm8, $0x303, v6;
	v7 =	vsel vm8, $0x2303, v7;
	v8 =	vsel vm8, $0x304, v8  }
0x2f: {  	v9 =	vsel vm8, $0x2304, v9;
	v10 =	vsel vm8, $0x305, v10;
	v11 =	vsel vm8, $0x2305, v11  }
0x30: {  	v12 =	vsel vm8, $0x306, v12;
	v13 =	vsel vm8, $0x2306, v13;
	v14 =	vsel vm8, $0x307, v14  }
0x31: {  	v15 =	vsel vm8, $0x2307, v15;
	v0 =	vsel vm7, $0x380, v0;
	v1 =	vsel vm7, $0x2380, v1  }
0x32: {  	v2 =	vsel vm7, $0x381, v2;
	v3 =	vsel vm7, $0x2381, v3;
	v4 =	vsel vm7, $0x382, v4  }
0x33: {  	v5 =	vsel vm7, $0x2382, v5;
	v6 =	vsel vm7, $0x383, v6;
	v7 =	vsel vm7, $0x2383, v7  }
0x34: {  	v8 =	vsel vm7, $0x384, v8;
	v9 =	vsel vm7, $0x2384, v9;
	v10 =	vsel vm7, $0x385, v10  }
0x35: {  	v11 =	vsel vm7, $0x2385, v11;
	v12 =	vsel vm7, $0x386, v12;
	v13 =	vsel vm7, $0x2386, v13  }
0x36: {  	v14 =	vsel vm7, $0x387, v14;
	v15 =	vsel vm7, $0x2387, v15;
	v0 =	vsel vm6, $0x1000, v0  }
0x37: {  	v1 =	vsel vm6, $0x3000, v1;
	v2 =	vsel vm6, $0x1001, v2;
	v3 =	vsel vm6, $0x3001, v3  }
0x38: {  	v4 =	vsel vm6, $0x1002, v4;
	v5 =	vsel vm6, $0x3002, v5;
	v6 =	vsel vm6, $0x1003, v6  }
0x39: {  	v7 =	vsel vm6, $0x3003, v7;
	v8 =	vsel vm6, $0x1004, v8;
	v9 =	vsel vm6, $0x3004, v9  }
0x3a: {  	v10 =	vsel vm6, $0x1005, v10;
	v11 =	vsel vm6, $0x3005, v11;
	v12 =	vsel vm6, $0x1006, v12  }
0x3b: {  	v13 =	vsel vm6, $0x3006, v13;
	v14 =	vsel vm6, $0x1007, v14;
	v15 =	vsel vm6, $0x3007, v15  }
0x3c: {  	v0 =	vsel vm5, $0x1080, v0;
	v1 =	vsel vm5, $0x3080, v1;
	v2 =	vsel vm5, $0x1081, v2  }
0x3d: {  	v3 =	vsel vm5, $0x3081, v3;
	v4 =	vsel vm5, $0x1082, v4;
	v5 =	vsel vm5, $0x3082, v5  }
0x3e: {  	v6 =	vsel vm5, $0x1083, v6;
	v7 =	vsel vm5, $0x3083, v7;
	v8 =	vsel vm5, $0x1084, v8  }
0x3f: {  	v9 =	vsel vm5, $0x3084, v9;
	v10 =	vsel vm5, $0x1085, v10;
	v11 =	vsel vm5, $0x3085, v11  }
0x40: {  	v12 =	vsel vm5, $0x1086, v12;
	v13 =	vsel vm5, $0x3086, v13;
	v14 =	vsel vm5, $0x1087, v14  }
0x41: {  	v15 =	vsel vm5, $0x3087, v15;
	v0 =	vsel vm4, $0x1100, v0;
	v1 =	vsel vm4, $0x3100, v1  }
0x42: {  	v2 =	vsel vm4, $0x1101, v2;
	v3 =	vsel vm4, $0x3101, v3;
	v4 =	vsel vm4, $0x1102, v4  }
0x43: {  	v5 =	vsel vm4, $0x3102, v5;
	v6 =	vsel vm4, $0x1103, v6;
	v7 =	vsel vm4, $0x3103, v7  }
0x44: {  	v8 =	vsel vm4, $0x1104, v8;
	v9 =	vsel vm4, $0x3104, v9;
	v10 =	vsel vm4, $0x1105, v10  }
0x45: {  	v11 =	vsel vm4, $0x3105, v11;
	v12 =	vsel vm4, $0x1106, v12;
	v13 =	vsel vm4, $0x3106, v13  }
0x46: {  	v14 =	vsel vm4, $0x1107, v14;
	v15 =	vsel vm4, $0x3107, v15;
	v0 =	vsel vm3, $0x1180, v0  }
0x47: {  	v1 =	vsel vm3, $0x3180, v1;
	v2 =	vsel vm3, $0x1181, v2;
	v3 =	vsel vm3, $0x3181, v3  }
0x48: {  	v4 =	vsel vm3, $0x1182, v4;
	v5 =	vsel vm3, $0x3182, v5;
	v6 =	vsel vm3, $0x1183, v6  }
0x49: {  	v7 =	vsel vm3, $0x3183, v7;
	v8 =	vsel vm3, $0x1184, v8;
	v9 =	vsel vm3, $0x3184, v9  }
0x4a: {  	s0 =	rddreg [dreg:$0x0];
	v10 =	vsel vm3, $0x1185, v10;
	v11 =	vsel vm3, $0x3185, v11;
	v12 =	vsel vm3, $0x1186, v12  }
0x4b: {  	s1 =	rddreg [dreg:$0x1];
	s2 =	srdreg.scid;
	v13 =	vsel vm3, $0x3186, v13;
	v14 =	vsel vm3, $0x1187, v14;
	v15 =	vsel vm3, $0x3187, v15  }
0x4c: {  	s4 =	stileid.u32;
	s3 =	simm.s32 $0x0;
	s19 =	simm.s32 $0x80;
	v0 =	vsel vm2, $0x1200, v0;
	v1 =	vsel vm2, $0x3200, v1;
	v2 =	vsel vm2, $0x1201, v2  }
0x4d: {  	s22 =	simm.s32 $0x8400;
	s30 =	simm.s32 $0x1;
	s31 =	simm.s32 $0xA400;
	v3 =	vsel vm2, $0x3201, v3;
	v4 =	vsel vm2, $0x1202, v4;
	v5 =	vsel vm2, $0x3202, v5  }
0x4e: {  	s16 =	simm.s32 $0xD400;
	s17 =	simm.s32 $0xE400;
	s11 =	simm.s32 $0x10400;
	v6 =	vsel vm2, $0x1203, v6;
	v7 =	vsel vm2, $0x3203, v7;
	v8 =	vsel vm2, $0x1204, v8  }
0x4f: {  	s12 =	simm.s32 $0x11400;
	s13 =	simm.s32 $0x2;
	s15 =	simm.s32 $0x0;
	v9 =	vsel vm2, $0x3204, v9;
	v10 =	vsel vm2, $0x1205, v10;
	v11 =	vsel vm2, $0x3205, v11  }
0x50: {  	s2 =	sand.u32 $0x1, s2;
	s4 =	sshll.u32 s4, $0x1;
	[smem:$0x7FF] =	sst s3;
	v12 =	vsel vm2, $0x1206, v12;
	v13 =	vsel vm2, $0x3206, v13;
	v14 =	vsel vm2, $0x1207, v14  }
0x51: {  	s8 =	sadd.s32 $0x4000, s1;
	s6 =	sor.u32 s2, s4;
	s2 =	ssub.s32 $0x2, s2;
	v15 =	vsel vm2, $0x3207, v15;
	v0 =	vsel vm1, $0x1280, v0;
	v1 =	vsel vm1, $0x3280, v1  }
0x52: {  	s9 =	sadd.s32 $0x8000, s1;
	s4 =	sshll.u32 s6, $0x6;
	s23 =	sshrl.u32 s2, $0x1;
	v2 =	vsel vm1, $0x1281, v2;
	v3 =	vsel vm1, $0x3281, v3;
	v4 =	vsel vm1, $0x1282, v4  }
0x53: {  	s25 =	sshll.u32 s6, $0x9;
	s7 =	sadd.s32 s4, s0;
	s4 =	sadd.s32 $0xF42A00, s0;
	v5 =	vsel vm1, $0x3282, v5;
	v6 =	vsel vm1, $0x1283, v6;
	v7 =	vsel vm1, $0x3283, v7  }
0x54: {  	s0 =	ssub.s32 s2, s23;
	s2 =	sadd.s32 s25, s1;
	s24 =	sadd.s32 $0x600, s7;
	v8 =	vsel vm1, $0x1284, v8;
	v9 =	vsel vm1, $0x3284, v9;
	v10 =	vsel vm1, $0x1285, v10  }
0x55: {  	_ =	strace $0x80000047;
	s26 =	sadd.s32 $0x310000, s2;
	[dreg:$0x3] =	wrdreg s24;
	v11 =	vsel vm1, $0x3285, v11;
	v12 =	vsel vm1, $0x1286, v12;
	v13 =	vsel vm1, $0x3286, v13  }
0x56: {  	s10 =	sadd.s32 $0xC000, s1;
	s28 =	sadd.s32 $0x314000, s2;
	[dreg:$0x4] =	wrdreg s26;
	v14 =	vsel vm1, $0x1287, v14;
	v15 =	vsel vm1, $0x3287, v15;
	v0 =	vsel vm0, $0x1300, v0  }
0x57: {  	s5 =	sshll.u32 s6, $0xC;
	s29 =	sadd.s32 $0x318000, s2;
	[dreg:$0x5] =	wrdreg s28;
	v1 =	vsel vm0, $0x3300, v1;
	v2 =	vsel vm0, $0x1301, v2;
	v3 =	vsel vm0, $0x3301, v3  }
0x58: {  	s6 =	simm.s32 $0xF400;
	s2 =	sadd.s32 $0x31C000, s2;
	[dreg:$0x6] =	wrdreg s29;
	v4 =	vsel vm0, $0x1302, v4;
	v5 =	vsel vm0, $0x3302, v5;
	v6 =	vsel vm0, $0x1303, v6  }
0x59: {  	s23 =	simm.s32 $0x9400;
	s0 =	smax.u32 s0, $0x1;
	[dreg:$0x7] =	wrdreg s2;
	v7 =	vsel vm0, $0x3303, v7;
	v8 =	vsel vm0, $0x1304, v8;
	v9 =	vsel vm0, $0x3304, v9  }
0x5a: {  	s25 =	simm.s32 $0x12400;
	s7 =	sor.u32 $0xFFF80000, s5;
	[dreg:$0x8] =	wrdreg s0;
	v10 =	vsel vm0, $0x1305, v10;
	v11 =	vsel vm0, $0x3305, v11;
	v12 =	vsel vm0, $0x1306, v12  }
0x5b: {  	s24 =	simm.s32 $0x4;
	s0 =	simm.s32 $0xB400;
	s2 =	simm.s32 $0xC400;
	v13 =	vsel vm0, $0x3306, v13;
	v14 =	vsel vm0, $0x1307, v14;
	v15 =	vsel vm0, $0x3307, v15  }
.LBB2_1:
0x5c: {  	[dreg:$0x9] =	wrdreg s15  }
0x5d: {  	s14 =	rddreg [dreg:$0x3]  }
0x5e: {  	s28 =	simm.s32 $0x200;
	s18 =	simm.s32 $0x4000;
	s29 =	simm.s32 $0x5  }
0x5f: {  	[tilespmem:s3], [sflag:$0x5] =	stream.strided.gather [hbm4b:s14+s28], $0x6400, s18, s28, $0x38;
	[tilespmem:$0x16400] =	vst v63  }
0x60: {  	_ =	swait.ge [sflag:s29], $0x6400  }
0x61: {  	[sflag:s29] =	ssyncset.done $0x0  }
0x62: {  	s18 =	simm.s32 $0x0;
	[sflag:s29] =	ssyncadd.s32 $0xFFFF9C00  }
.LBB2_2:
0x63: {  	s14 =	sshll.u32 s18, $0xA  }
0x64: {  	s15 =	simm.s32 $0x6400;
	s14 =	sand.u32 $0x3FFFFC00, s14  }
0x65: {  	[tilespmem:s15], [sflag:$0x1] =	stream.indirect.gather [hbm4b:s4+s19], $0x20, s14, s19, $0xb8;
	[tilespmem:$0x16400] =	vst v63  }
0x66: {  	s20 =	simm.s32 $0x7400;
	p0 =	slt.u32 s18, $0x2;
	s26 =	sor.u32 $0x80, s14  }
0x67: {  	[tilespmem:s20], [sflag:$0x1] =	stream.indirect.gather [hbm4b:s4+s19], $0x20, s26, s19, $0xb8;
	[tilespmem:$0x16400] =	vst v63  }
.Ltmp0:
0x68: {  	_ = 	snop;
	(pc) =	sbr.rel @p0 .LBB2_7-.Ltmp0, $4  }
0x69: {  	s28 =	sor.u32 $0x100, s14  }
0x6a: {  	[tilespmem:s22], [sflag:$0x1] =	stream.indirect.gather [hbm4b:s4+s19], $0x20, s28, s19, $0xb8;
	[tilespmem:$0x16400] =	vst v63  }
0x6b: {  	s29 =	sor.u32 $0x180, s14  }
0x6c: {  	[tilespmem:s23], [sflag:$0x1] =	stream.indirect.gather [hbm4b:s4+s19], $0x20, s29, s19, $0xb8;
	[tilespmem:$0x16400] =	vst v63  }
.Ltmp1:
0x6d: {  	(pc) =	sbr.rel .LBB2_4-.Ltmp1, $4  }
0x6e: {  	_ = 	snop  }
0x6f: {  	_ =	swait.ge [sflag:s24], $0x4000  }
0x70: {  	[sflag:s24] =	ssyncset.done $0x0  }
0x71: {  	[sflag:s24] =	ssyncadd.s32 $0xFFFFC000  }
.LBB2_7:
0x72: {  	p0 =	seq.s32 s18, $0x0  }
.Ltmp2:
0x73: {  	_ = 	snop;
	(pc) =	sbr.rel @p0 .LBB2_8-.Ltmp2, $1  }
0x74: {  	_ =	sdelay $0x3  }
.LBB2_4:
0x75: {  	s15 =	simm.s32 $0x0;
	s26 =	simm.s32 $0x0  }
0x76: {  	s20 =	sand.u32 $0xC00, s15;
	s29 =	sand.u32 $0x78, s26  }
0x77: {  	s28 =	simm.s32 $0xA480;
	s29 =	sor.u32 s29, s20  }
0x78: {  	v16 =	vld [tilespmem:s28+$0xFFFFFF80];
	v17 =	vor.u32 s29, v0  }
0x79: {  	v18 =	vld [tilespmem:s28+$0xFFFFFF90];
	v19 =	vor.u32 s29, v1;
	_ =	sdelay $0x2  }
0x7a: {  	s21 =	simm.s32 $0x1  }
0x7b: {  	s29 =	sand.u32 $0x79, s21;
	[tilespmem:v17+s25+$0x0] =	vst.idx.msk $0xffff, v16  }
0x7c: {  	s29 =	sor.u32 s29, s20;
	[tilespmem:v19+s25+$0x0] =	vst.idx.msk $0xffff, v18  }
0x7d: {  	v17 =	vor.u32 s29, v2;
	v16 =	vld [tilespmem:s28+$0xFFFFFFA0]  }
0x7e: {  	v19 =	vor.u32 s29, v3;
	v18 =	vld [tilespmem:s28+$0xFFFFFFB0];
	_ =	sdelay $0x2  }
0x7f: {  	s21 =	simm.s32 $0x2  }
0x80: {  	s29 =	sand.u32 $0x7A, s21;
	[tilespmem:v17+s25+$0x0] =	vst.idx.msk $0xffff, v16  }
0x81: {  	s29 =	sor.u32 s29, s20;
	[tilespmem:v19+s25+$0x0] =	vst.idx.msk $0xffff, v18  }
0x82: {  	v17 =	vor.u32 s29, v4;
	v16 =	vld [tilespmem:s28+$0xFFFFFFC0]  }
0x83: {  	v19 =	vor.u32 s29, v5;
	v18 =	vld [tilespmem:s28+$0xFFFFFFD0];
	_ =	sdelay $0x2  }
0x84: {  	s21 =	simm.s32 $0x3  }
0x85: {  	s29 =	sand.u32 $0x7B, s21;
	[tilespmem:v17+s25+$0x0] =	vst.idx.msk $0xffff, v16  }
0x86: {  	s29 =	sor.u32 s29, s20;
	[tilespmem:v19+s25+$0x0] =	vst.idx.msk $0xffff, v18  }
0x87: {  	v17 =	vor.u32 s29, v6;
	v16 =	vld [tilespmem:s28+$0xFFFFFFE0]  }
0x88: {  	v19 =	vor.u32 s29, v7;
	v18 =	vld [tilespmem:s28+$0xFFFFFFF0];
	_ =	sdelay $0x2  }
0x89: {  	s21 =	simm.s32 $0x4  }
0x8a: {  	s29 =	sand.u32 $0x7C, s21;
	[tilespmem:v17+s25+$0x0] =	vst.idx.msk $0xffff, v16  }
0x8b: {  	s29 =	sor.u32 s29, s20;
	[tilespmem:v19+s25+$0x0] =	vst.idx.msk $0xffff, v18  }
0x8c: {  	v17 =	vor.u32 s29, v8;
	v16 =	vld [tilespmem:s28+$0x0]  }
0x8d: {  	v19 =	vor.u32 s29, v9;
	v18 =	vld [tilespmem:s28+$0x10];
	_ =	sdelay $0x2  }
0x8e: {  	s21 =	simm.s32 $0x5  }
0x8f: {  	s29 =	sand.u32 $0x7D, s21;
	[tilespmem:v17+s25+$0x0] =	vst.idx.msk $0xffff, v16  }
0x90: {  	s29 =	sor.u32 s29, s20;
	[tilespmem:v19+s25+$0x0] =	vst.idx.msk $0xffff, v18  }
0x91: {  	v17 =	vor.u32 s29, v10;
	v16 =	vld [tilespmem:s28+$0x20]  }
0x92: {  	v19 =	vor.u32 s29, v11;
	v18 =	vld [tilespmem:s28+$0x30];
	_ =	sdelay $0x2  }
0x93: {  	s21 =	simm.s32 $0x6  }
0x94: {  	s29 =	sand.u32 $0x7E, s21;
	[tilespmem:v17+s25+$0x0] =	vst.idx.msk $0xffff, v16  }
0x95: {  	s29 =	sor.u32 s29, s20;
	[tilespmem:v19+s25+$0x0] =	vst.idx.msk $0xffff, v18  }
0x96: {  	v17 =	vor.u32 s29, v12;
	v16 =	vld [tilespmem:s28+$0x40]  }
0x97: {  	v19 =	vor.u32 s29, v13;
	v18 =	vld [tilespmem:s28+$0x50];
	_ =	sdelay $0x2  }
0x98: {  	s21 =	simm.s32 $0x7  }
0x99: {  	s29 =	sand.u32 $0x7F, s21;
	[tilespmem:v17+s25+$0x0] =	vst.idx.msk $0xffff, v16  }
0x9a: {  	s20 =	sor.u32 s29, s20;
	[tilespmem:v19+s25+$0x0] =	vst.idx.msk $0xffff, v18  }
0x9b: {  	v18 =	vor.u32 s20, v14;
	v16 =	vld [tilespmem:s28+$0x60]  }
0x9c: {  	v19 =	vor.u32 s20, v15;
	v17 =	vld [tilespmem:s28+$0x70]  }
.LBB2_5:
0x9d: {  	_ =	sdelay $0x1  }
0x9e: {  	s15 =	sadd.s32 $0x40, s15;
	s20 =	smov.u32 s26;
	s26 =	sadd.s32 $0x8, s26  }
0x9f: {  	s29 =	sand.u32 $0xC00, s15;
	s21 =	sand.u32 $0x78, s26;
	p0 =	slt.u32 s26, $0x1F8;
	[tilespmem:v18+s25+$0x0] =	vst.idx.msk $0xffff, v16  }
0xa0: {  	s28 =	sadd.s32 $0x100, s28;
	s21 =	sor.u32 s21, s29;
	[tilespmem:v19+s25+$0x0] =	vst.idx.msk $0xffff, v17  }
0xa1: {  	v17 =	vor.u32 s21, v0;
	v16 =	vld [tilespmem:s28+$0xFFFFFF80]  }
0xa2: {  	v19 =	vor.u32 s21, v1;
	v18 =	vld [tilespmem:s28+$0xFFFFFF90];
	_ =	sdelay $0x2  }
0xa3: {  	s21 =	sadd.s32 $0x9, s20  }
0xa4: {  	s21 =	sand.u32 $0x79, s21;
	[tilespmem:v17+s25+$0x0] =	vst.idx.msk $0xffff, v16  }
0xa5: {  	s21 =	sor.u32 s21, s29;
	[tilespmem:v19+s25+$0x0] =	vst.idx.msk $0xffff, v18  }
0xa6: {  	v17 =	vor.u32 s21, v2;
	v16 =	vld [tilespmem:s28+$0xFFFFFFA0]  }
0xa7: {  	v19 =	vor.u32 s21, v3;
	v18 =	vld [tilespmem:s28+$0xFFFFFFB0];
	_ =	sdelay $0x2  }
0xa8: {  	s21 =	sadd.s32 $0xA, s20  }
0xa9: {  	s21 =	sand.u32 $0x7A, s21;
	[tilespmem:v17+s25+$0x0] =	vst.idx.msk $0xffff, v16  }
0xaa: {  	s21 =	sor.u32 s21, s29;
	[tilespmem:v19+s25+$0x0] =	vst.idx.msk $0xffff, v18  }
0xab: {  	v17 =	vor.u32 s21, v4;
	v16 =	vld [tilespmem:s28+$0xFFFFFFC0]  }
0xac: {  	v19 =	vor.u32 s21, v5;
	v18 =	vld [tilespmem:s28+$0xFFFFFFD0];
	_ =	sdelay $0x2  }
0xad: {  	s21 =	sadd.s32 $0xB, s20  }
0xae: {  	s21 =	sand.u32 $0x7B, s21;
	[tilespmem:v17+s25+$0x0] =	vst.idx.msk $0xffff, v16  }
0xaf: {  	s21 =	sor.u32 s21, s29;
	[tilespmem:v19+s25+$0x0] =	vst.idx.msk $0xffff, v18  }
0xb0: {  	v17 =	vor.u32 s21, v6;
	v16 =	vld [tilespmem:s28+$0xFFFFFFE0]  }
0xb1: {  	v19 =	vor.u32 s21, v7;
	v18 =	vld [tilespmem:s28+$0xFFFFFFF0];
	_ =	sdelay $0x2  }
0xb2: {  	s21 =	sadd.s32 $0xC, s20  }
0xb3: {  	s21 =	sand.u32 $0x7C, s21;
	[tilespmem:v17+s25+$0x0] =	vst.idx.msk $0xffff, v16  }
0xb4: {  	s21 =	sor.u32 s21, s29;
	[tilespmem:v19+s25+$0x0] =	vst.idx.msk $0xffff, v18  }
0xb5: {  	v17 =	vor.u32 s21, v8;
	v16 =	vld [tilespmem:s28+$0x0]  }
0xb6: {  	v19 =	vor.u32 s21, v9;
	v18 =	vld [tilespmem:s28+$0x10];
	_ =	sdelay $0x2  }
0xb7: {  	s21 =	sadd.s32 $0xD, s20  }
0xb8: {  	s21 =	sand.u32 $0x7D, s21;
	[tilespmem:v17+s25+$0x0] =	vst.idx.msk $0xffff, v16  }
0xb9: {  	s21 =	sor.u32 s21, s29;
	[tilespmem:v19+s25+$0x0] =	vst.idx.msk $0xffff, v18  }
0xba: {  	v17 =	vor.u32 s21, v10;
	v16 =	vld [tilespmem:s28+$0x20]  }
0xbb: {  	v19 =	vor.u32 s21, v11;
	v18 =	vld [tilespmem:s28+$0x30];
	_ =	sdelay $0x2  }
0xbc: {  	s21 =	sadd.s32 $0xE, s20  }
0xbd: {  	s21 =	sand.u32 $0x7E, s21;
	[tilespmem:v17+s25+$0x0] =	vst.idx.msk $0xffff, v16  }
0xbe: {  	s21 =	sor.u32 s21, s29;
	[tilespmem:v19+s25+$0x0] =	vst.idx.msk $0xffff, v18  }
0xbf: {  	v17 =	vor.u32 s21, v12;
	v16 =	vld [tilespmem:s28+$0x40]  }
0xc0: {  	v19 =	vor.u32 s21, v13;
	v18 =	vld [tilespmem:s28+$0x50];
	_ =	sdelay $0x2  }
.Ltmp3:
0xc1: {  	s20 =	sadd.s32 $0xF, s20;
	(pc) =	sbr.rel @p0 .LBB2_5-.Ltmp3, $4  }
0xc2: {  	s20 =	sand.u32 $0x7F, s20;
	[tilespmem:v17+s25+$0x0] =	vst.idx.msk $0xffff, v16  }
0xc3: {  	s20 =	sor.u32 s20, s29;
	[tilespmem:v19+s25+$0x0] =	vst.idx.msk $0xffff, v18  }
0xc4: {  	v18 =	vor.u32 s20, v14;
	v16 =	vld [tilespmem:s28+$0x60]  }
0xc5: {  	v19 =	vor.u32 s20, v15;
	v17 =	vld [tilespmem:s28+$0x70]  }
0xc6: {  	_ =	sdelay $0x1  }
0xc7: {  	s15 =	sshll.u32 s18, $0x14  }
0xc8: {  	s15 =	sadd.s32 s7, s15  }
0xc9: {  	s15 =	sshrl.u32 s15, $0x3;
	[tilespmem:v18+s25+$0x0] =	vst.idx.msk $0xffff, v16  }
0xca: {  	s20 =	sadd.s32 s1, s15;
	[tilespmem:v19+s25+$0x0] =	vst.idx.msk $0xffff, v17  }
0xcb: {  	[hbm4b:s20+s3] =	stream.linear.scatter [tilespmem:s25], [sflag:$0x4], $0x1000, $0x38;
	[tilespmem:$0x16400] =	vst v63  }
0xcc: {  	s21 =	simm.s32 $0x13400;
	s29 =	sadd.s32 s15, s8  }
0xcd: {  	[hbm4b:s29+s3] =	stream.linear.scatter [tilespmem:s21], [sflag:$0x4], $0x1000, $0x38;
	[tilespmem:$0x16400] =	vst v63  }
0xce: {  	s28 =	simm.s32 $0x14400;
	s26 =	sadd.s32 s15, s9  }
0xcf: {  	[hbm4b:s26+s3] =	stream.linear.scatter [tilespmem:s28], [sflag:$0x4], $0x1000, $0x38;
	[tilespmem:$0x16400] =	vst v63  }
0xd0: {  	p0 =	por $0x0, $0x0;
	s15 =	sadd.s32 s15, s10;
	s29 =	simm.s32 $0x15400  }
0xd1: {  	[hbm4b:s15+s3] =	stream.linear.scatter [tilespmem:s29], [sflag:$0x4], $0x1000, $0x38;
	[tilespmem:$0x16400] =	vst v63  }
.LBB2_9:
0xd2: {  	_ =	swait.ge [sflag:s30], $0x1000  }
0xd3: {  	[sflag:s30] =	ssyncset.done $0x0  }
0xd4: {  	[sflag:s30] =	ssyncadd.s32 $0xFFFFF000  }
0xd5: {  	_ =	swait.ge [sflag:s30], $0x1000  }
0xd6: {  	[sflag:s30] =	ssyncset.done $0x0  }
0xd7: {  	[sflag:s30] =	ssyncadd.s32 $0xFFFFF000  }
0xd8: {  	_ =	swait.ge [sflag:s30], $0x1000  }
0xd9: {  	[sflag:s30] =	ssyncset.done $0x0  }
0xda: {  	[sflag:s30] =	ssyncadd.s32 $0xFFFFF000  }
0xdb: {  	_ =	swait.ge [sflag:s30], $0x1000  }
0xdc: {  	[sflag:s30] =	ssyncset.done $0x0  }
0xdd: {  	s15 =	sadd.s32 $0x200, s14;
	[sflag:s30] =	ssyncadd.s32 $0xFFFFF000  }
0xde: {  	[tilespmem:s31], [sflag:$0x2] =	stream.indirect.gather [hbm4b:s4+s19], $0x20, s15, s19, $0xb8;
	[tilespmem:$0x16400] =	vst v63  }
0xdf: {  	s20 =	sadd.s32 $0x280, s14  }
0xe0: {  	[tilespmem:s0], [sflag:$0x2] =	stream.indirect.gather [hbm4b:s4+s19], $0x20, s20, s19, $0xb8;
	[tilespmem:$0x16400] =	vst v63  }
0xe1: {  	s21 =	sadd.s32 $0x300, s14  }
0xe2: {  	[tilespmem:s2], [sflag:$0x2] =	stream.indirect.gather [hbm4b:s4+s19], $0x20, s21, s19, $0xb8;
	[tilespmem:$0x16400] =	vst v63  }
0xe3: {  	s26 =	sadd.s32 $0x380, s14;
	s21 =	simm.s32 @!p0 $0x3  }
0xe4: {  	[tilespmem:s16], [sflag:$0x2] =	stream.indirect.gather [hbm4b:s4+s19], $0x20, s26, s19, $0xb8;
	[tilespmem:$0x16400] =	vst v63  }
0xe5: {  	s14 =	simm.s32 $0x0;
	s15 =	simm.s32 $0x0;
	_ =	swait.ge @!p0 [sflag:s21], $0x4000  }
0xe6: {  	s28 =	sand.u32 $0x78, s15;
	s20 =	sand.u32 $0xC00, s14;
	[sflag:s21] =	ssyncset.done @!p0 $0x0  }
0xe7: {  	s28 =	sor.u32 s28, s20;
	s26 =	simm.s32 $0x6480;
	[sflag:s21] =	ssyncadd.s32 @!p0 $0xFFFFC000  }
0xe8: {  	v17 =	vor.u32 s28, v0;
	v16 =	vld [tilespmem:s26+$0xFFFFFF80]  }
0xe9: {  	v19 =	vor.u32 s28, v1;
	v18 =	vld [tilespmem:s26+$0xFFFFFF90];
	_ =	sdelay $0x2  }
0xea: {  	s29 =	simm.s32 $0x1  }
0xeb: {  	s21 =	sand.u32 $0x79, s29;
	[tilespmem:v17+s17+$0x0] =	vst.idx.msk $0xffff, v16  }
0xec: {  	s21 =	sor.u32 s21, s20;
	[tilespmem:v19+s17+$0x0] =	vst.idx.msk $0xffff, v18  }
0xed: {  	v17 =	vor.u32 s21, v2;
	v16 =	vld [tilespmem:s26+$0xFFFFFFA0]  }
0xee: {  	v19 =	vor.u32 s21, v3;
	v18 =	vld [tilespmem:s26+$0xFFFFFFB0];
	_ =	sdelay $0x2  }
0xef: {  	s28 =	simm.s32 $0x2  }
0xf0: {  	s21 =	sand.u32 $0x7A, s28;
	[tilespmem:v17+s17+$0x0] =	vst.idx.msk $0xffff, v16  }
0xf1: {  	s21 =	sor.u32 s21, s20;
	[tilespmem:v19+s17+$0x0] =	vst.idx.msk $0xffff, v18  }
0xf2: {  	v17 =	vor.u32 s21, v4;
	v16 =	vld [tilespmem:s26+$0xFFFFFFC0]  }
0xf3: {  	v19 =	vor.u32 s21, v5;
	v18 =	vld [tilespmem:s26+$0xFFFFFFD0];
	_ =	sdelay $0x2  }
0xf4: {  	s29 =	simm.s32 $0x3  }
0xf5: {  	s21 =	sand.u32 $0x7B, s29;
	[tilespmem:v17+s17+$0x0] =	vst.idx.msk $0xffff, v16  }
0xf6: {  	s21 =	sor.u32 s21, s20;
	[tilespmem:v19+s17+$0x0] =	vst.idx.msk $0xffff, v18  }
0xf7: {  	v17 =	vor.u32 s21, v6;
	v16 =	vld [tilespmem:s26+$0xFFFFFFE0]  }
0xf8: {  	v19 =	vor.u32 s21, v7;
	v18 =	vld [tilespmem:s26+$0xFFFFFFF0];
	_ =	sdelay $0x2  }
0xf9: {  	s28 =	simm.s32 $0x4  }
0xfa: {  	s21 =	sand.u32 $0x7C, s28;
	[tilespmem:v17+s17+$0x0] =	vst.idx.msk $0xffff, v16  }
0xfb: {  	s21 =	sor.u32 s21, s20;
	[tilespmem:v19+s17+$0x0] =	vst.idx.msk $0xffff, v18  }
0xfc: {  	v17 =	vor.u32 s21, v8;
	v16 =	vld [tilespmem:s26+$0x0]  }
0xfd: {  	v19 =	vor.u32 s21, v9;
	v18 =	vld [tilespmem:s26+$0x10];
	_ =	sdelay $0x2  }
0xfe: {  	s29 =	simm.s32 $0x5  }
0xff: {  	s21 =	sand.u32 $0x7D, s29;
	[tilespmem:v17+s17+$0x0] =	vst.idx.msk $0xffff, v16  }
0x100: {  	s21 =	sor.u32 s21, s20;
	[tilespmem:v19+s17+$0x0] =	vst.idx.msk $0xffff, v18  }
0x101: {  	v17 =	vor.u32 s21, v10;
	v16 =	vld [tilespmem:s26+$0x20]  }
0x102: {  	v19 =	vor.u32 s21, v11;
	v18 =	vld [tilespmem:s26+$0x30];
	_ =	sdelay $0x2  }
0x103: {  	s28 =	simm.s32 $0x6  }
0x104: {  	s21 =	sand.u32 $0x7E, s28;
	[tilespmem:v17+s17+$0x0] =	vst.idx.msk $0xffff, v16  }
0x105: {  	s21 =	sor.u32 s21, s20;
	[tilespmem:v19+s17+$0x0] =	vst.idx.msk $0xffff, v18  }
0x106: {  	v17 =	vor.u32 s21, v12;
	v16 =	vld [tilespmem:s26+$0x40]  }
0x107: {  	v19 =	vor.u32 s21, v13;
	v18 =	vld [tilespmem:s26+$0x50];
	_ =	sdelay $0x2  }
0x108: {  	s29 =	simm.s32 $0x7  }
0x109: {  	s21 =	sand.u32 $0x7F, s29;
	[tilespmem:v17+s17+$0x0] =	vst.idx.msk $0xffff, v16  }
0x10a: {  	s20 =	sor.u32 s21, s20;
	[tilespmem:v19+s17+$0x0] =	vst.idx.msk $0xffff, v18  }
0x10b: {  	v18 =	vor.u32 s20, v14;
	v16 =	vld [tilespmem:s26+$0x60]  }
0x10c: {  	v19 =	vor.u32 s20, v15;
	v17 =	vld [tilespmem:s26+$0x70]  }
.LBB2_10:
0x10d: {  	_ =	sdelay $0x1  }
0x10e: {  	s14 =	sadd.s32 $0x40, s14;
	s20 =	smov.u32 s15;
	s15 =	sadd.s32 $0x8, s15  }
0x10f: {  	s28 =	sand.u32 $0xC00, s14;
	s21 =	sand.u32 $0x78, s15;
	p0 =	slt.u32 s15, $0x1F8;
	[tilespmem:v18+s17+$0x0] =	vst.idx.msk $0xffff, v16  }
0x110: {  	s26 =	sadd.s32 $0x100, s26;
	s21 =	sor.u32 s21, s28;
	[tilespmem:v19+s17+$0x0] =	vst.idx.msk $0xffff, v17  }
0x111: {  	v17 =	vor.u32 s21, v0;
	v16 =	vld [tilespmem:s26+$0xFFFFFF80]  }
0x112: {  	v19 =	vor.u32 s21, v1;
	v18 =	vld [tilespmem:s26+$0xFFFFFF90];
	_ =	sdelay $0x2  }
0x113: {  	s21 =	sadd.s32 $0x9, s20  }
0x114: {  	s21 =	sand.u32 $0x79, s21;
	[tilespmem:v17+s17+$0x0] =	vst.idx.msk $0xffff, v16  }
0x115: {  	s21 =	sor.u32 s21, s28;
	[tilespmem:v19+s17+$0x0] =	vst.idx.msk $0xffff, v18  }
0x116: {  	v17 =	vor.u32 s21, v2;
	v16 =	vld [tilespmem:s26+$0xFFFFFFA0]  }
0x117: {  	v19 =	vor.u32 s21, v3;
	v18 =	vld [tilespmem:s26+$0xFFFFFFB0];
	_ =	sdelay $0x2  }
0x118: {  	s21 =	sadd.s32 $0xA, s20  }
0x119: {  	s21 =	sand.u32 $0x7A, s21;
	[tilespmem:v17+s17+$0x0] =	vst.idx.msk $0xffff, v16  }
0x11a: {  	s21 =	sor.u32 s21, s28;
	[tilespmem:v19+s17+$0x0] =	vst.idx.msk $0xffff, v18  }
0x11b: {  	v17 =	vor.u32 s21, v4;
	v16 =	vld [tilespmem:s26+$0xFFFFFFC0]  }
0x11c: {  	v19 =	vor.u32 s21, v5;
	v18 =	vld [tilespmem:s26+$0xFFFFFFD0];
	_ =	sdelay $0x2  }
0x11d: {  	s21 =	sadd.s32 $0xB, s20  }
0x11e: {  	s21 =	sand.u32 $0x7B, s21;
	[tilespmem:v17+s17+$0x0] =	vst.idx.msk $0xffff, v16  }
0x11f: {  	s21 =	sor.u32 s21, s28;
	[tilespmem:v19+s17+$0x0] =	vst.idx.msk $0xffff, v18  }
0x120: {  	v17 =	vor.u32 s21, v6;
	v16 =	vld [tilespmem:s26+$0xFFFFFFE0]  }
0x121: {  	v19 =	vor.u32 s21, v7;
	v18 =	vld [tilespmem:s26+$0xFFFFFFF0];
	_ =	sdelay $0x2  }
0x122: {  	s21 =	sadd.s32 $0xC, s20  }
0x123: {  	s21 =	sand.u32 $0x7C, s21;
	[tilespmem:v17+s17+$0x0] =	vst.idx.msk $0xffff, v16  }
0x124: {  	s21 =	sor.u32 s21, s28;
	[tilespmem:v19+s17+$0x0] =	vst.idx.msk $0xffff, v18  }
0x125: {  	v17 =	vor.u32 s21, v8;
	v16 =	vld [tilespmem:s26+$0x0]  }
0x126: {  	v19 =	vor.u32 s21, v9;
	v18 =	vld [tilespmem:s26+$0x10];
	_ =	sdelay $0x2  }
0x127: {  	s21 =	sadd.s32 $0xD, s20  }
0x128: {  	s21 =	sand.u32 $0x7D, s21;
	[tilespmem:v17+s17+$0x0] =	vst.idx.msk $0xffff, v16  }
0x129: {  	s21 =	sor.u32 s21, s28;
	[tilespmem:v19+s17+$0x0] =	vst.idx.msk $0xffff, v18  }
0x12a: {  	v17 =	vor.u32 s21, v10;
	v16 =	vld [tilespmem:s26+$0x20]  }
0x12b: {  	v19 =	vor.u32 s21, v11;
	v18 =	vld [tilespmem:s26+$0x30];
	_ =	sdelay $0x2  }
0x12c: {  	s21 =	sadd.s32 $0xE, s20  }
0x12d: {  	s21 =	sand.u32 $0x7E, s21;
	[tilespmem:v17+s17+$0x0] =	vst.idx.msk $0xffff, v16  }
0x12e: {  	s21 =	sor.u32 s21, s28;
	[tilespmem:v19+s17+$0x0] =	vst.idx.msk $0xffff, v18  }
0x12f: {  	v17 =	vor.u32 s21, v12;
	v16 =	vld [tilespmem:s26+$0x40]  }
0x130: {  	v19 =	vor.u32 s21, v13;
	v18 =	vld [tilespmem:s26+$0x50];
	_ =	sdelay $0x2  }
.Ltmp4:
0x131: {  	s20 =	sadd.s32 $0xF, s20;
	(pc) =	sbr.rel @p0 .LBB2_10-.Ltmp4, $4  }
0x132: {  	s20 =	sand.u32 $0x7F, s20;
	[tilespmem:v17+s17+$0x0] =	vst.idx.msk $0xffff, v16  }
0x133: {  	s20 =	sor.u32 s20, s28;
	[tilespmem:v19+s17+$0x0] =	vst.idx.msk $0xffff, v18  }
0x134: {  	v18 =	vor.u32 s20, v14;
	v16 =	vld [tilespmem:s26+$0x60]  }
0x135: {  	v19 =	vor.u32 s20, v15;
	v17 =	vld [tilespmem:s26+$0x70]  }
0x136: {  	_ =	sdelay $0x1  }
0x137: {  	s14 =	sshll.u32 s18, $0x14  }
0x138: {  	s14 =	sor.u32 s5, s14  }
0x139: {  	s14 =	sshrl.u32 s14, $0x3;
	[tilespmem:v18+s17+$0x0] =	vst.idx.msk $0xffff, v16  }
0x13a: {  	s15 =	sadd.s32 s1, s14;
	[tilespmem:v19+s17+$0x0] =	vst.idx.msk $0xffff, v17  }
0x13b: {  	[hbm4b:s15+s3] =	stream.linear.scatter [tilespmem:s17], [sflag:$0x3], $0x1000, $0x38;
	[tilespmem:$0x16400] =	vst v63  }
0x13c: {  	s28 =	sadd.s32 s14, s8  }
0x13d: {  	[hbm4b:s28+s3] =	stream.linear.scatter [tilespmem:s6], [sflag:$0x3], $0x1000, $0x38;
	[tilespmem:$0x16400] =	vst v63  }
0x13e: {  	s29 =	sadd.s32 s14, s9  }
0x13f: {  	[hbm4b:s29+s3] =	stream.linear.scatter [tilespmem:s11], [sflag:$0x3], $0x1000, $0x38;
	[tilespmem:$0x16400] =	vst v63  }
0x140: {  	s14 =	sadd.s32 s14, s10  }
0x141: {  	[hbm4b:s14+s3] =	stream.linear.scatter [tilespmem:s12], [sflag:$0x3], $0x1000, $0x38;
	[tilespmem:$0x16400] =	vst v63  }
0x142: {  	_ =	swait.ge [sflag:s13], $0x1000  }
0x143: {  	[sflag:s13] =	ssyncset.done $0x0  }
0x144: {  	[sflag:s13] =	ssyncadd.s32 $0xFFFFF000  }
0x145: {  	_ =	swait.ge [sflag:s13], $0x1000  }
0x146: {  	[sflag:s13] =	ssyncset.done $0x0  }
0x147: {  	s18 =	sadd.s32 $0x1, s18;
	[sflag:s13] =	ssyncadd.s32 $0xFFFFF000  }
0x148: {  	p0 =	sne.s32 s18, $0x19;
	_ =	swait.ge [sflag:s13], $0x1000  }
.Ltmp5:
0x149: {  	[sflag:s13] =	ssyncset.done $0x0;
	(pc) =	sbr.rel @p0 .LBB2_2-.Ltmp5, $4  }
.Ltmp6:
0x14a: {  	[sflag:s13] =	ssyncadd.s32 $0xFFFFF000;
	(pc) =	sbr.rel @!p0 .LBB2_12-.Ltmp6, $4  }
0x14b: {  	_ =	swait.ge [sflag:s13], $0x1000  }
0x14c: {  	[sflag:s13] =	ssyncset.done $0x0  }
0x14d: {  	[sflag:s13] =	ssyncadd.s32 $0xFFFFF000  }
0x14e: {  	_ = 	snop  }
.LBB2_8:
.Ltmp7:
0x14f: {  	(pc) =	sbr.rel .LBB2_9-.Ltmp7, $2  }
0x150: {  	_ =	sdelay $0x2  }
0x151: {  	p0 =	por $0x1, $0x1  }
.LBB2_12:
0x152: {  	_ =	swait.ge [sflag:s24], $0x4000;
	s14 =	simm.s32 $0x0;
	s15 =	simm.s32 $0x0  }
0x153: {  	[sflag:s24] =	ssyncset.done $0x0;
	s20 =	sand.u32 $0xC00, s14;
	s21 =	sand.u32 $0x78, s15  }
0x154: {  	s18 =	simm.s32 $0xA480;
	[sflag:s24] =	ssyncadd.s32 $0xFFFFC000;
	s21 =	sor.u32 s21, s20  }
0x155: {  	v16 =	vld [tilespmem:s18+$0xFFFFFF80];
	v17 =	vor.u32 s21, v0  }
0x156: {  	v18 =	vld [tilespmem:s18+$0xFFFFFF90];
	v19 =	vor.u32 s21, v1;
	_ =	sdelay $0x2  }
0x157: {  	s29 =	simm.s32 $0x1  }
0x158: {  	s21 =	sand.u32 $0x79, s29;
	[tilespmem:v17+s25+$0x0] =	vst.idx.msk $0xffff, v16  }
0x159: {  	s21 =	sor.u32 s21, s20;
	[tilespmem:v19+s25+$0x0] =	vst.idx.msk $0xffff, v18  }
0x15a: {  	v17 =	vor.u32 s21, v2;
	v16 =	vld [tilespmem:s18+$0xFFFFFFA0]  }
0x15b: {  	v19 =	vor.u32 s21, v3;
	v18 =	vld [tilespmem:s18+$0xFFFFFFB0];
	_ =	sdelay $0x2  }
0x15c: {  	s26 =	simm.s32 $0x2  }
0x15d: {  	s21 =	sand.u32 $0x7A, s26;
	[tilespmem:v17+s25+$0x0] =	vst.idx.msk $0xffff, v16  }
0x15e: {  	s21 =	sor.u32 s21, s20;
	[tilespmem:v19+s25+$0x0] =	vst.idx.msk $0xffff, v18  }
0x15f: {  	v17 =	vor.u32 s21, v4;
	v16 =	vld [tilespmem:s18+$0xFFFFFFC0]  }
0x160: {  	v19 =	vor.u32 s21, v5;
	v18 =	vld [tilespmem:s18+$0xFFFFFFD0];
	_ =	sdelay $0x2  }
0x161: {  	s28 =	simm.s32 $0x3  }
0x162: {  	s21 =	sand.u32 $0x7B, s28;
	[tilespmem:v17+s25+$0x0] =	vst.idx.msk $0xffff, v16  }
0x163: {  	s21 =	sor.u32 s21, s20;
	[tilespmem:v19+s25+$0x0] =	vst.idx.msk $0xffff, v18  }
0x164: {  	v17 =	vor.u32 s21, v6;
	v16 =	vld [tilespmem:s18+$0xFFFFFFE0]  }
0x165: {  	v19 =	vor.u32 s21, v7;
	v18 =	vld [tilespmem:s18+$0xFFFFFFF0];
	_ =	sdelay $0x2  }
0x166: {  	s29 =	simm.s32 $0x4  }
0x167: {  	s21 =	sand.u32 $0x7C, s29;
	[tilespmem:v17+s25+$0x0] =	vst.idx.msk $0xffff, v16  }
0x168: {  	s21 =	sor.u32 s21, s20;
	[tilespmem:v19+s25+$0x0] =	vst.idx.msk $0xffff, v18  }
0x169: {  	v17 =	vor.u32 s21, v8;
	v16 =	vld [tilespmem:s18+$0x0]  }
0x16a: {  	v19 =	vor.u32 s21, v9;
	v18 =	vld [tilespmem:s18+$0x10];
	_ =	sdelay $0x2  }
0x16b: {  	s26 =	simm.s32 $0x5  }
0x16c: {  	s21 =	sand.u32 $0x7D, s26;
	[tilespmem:v17+s25+$0x0] =	vst.idx.msk $0xffff, v16  }
0x16d: {  	s21 =	sor.u32 s21, s20;
	[tilespmem:v19+s25+$0x0] =	vst.idx.msk $0xffff, v18  }
0x16e: {  	v17 =	vor.u32 s21, v10;
	v16 =	vld [tilespmem:s18+$0x20]  }
0x16f: {  	v19 =	vor.u32 s21, v11;
	v18 =	vld [tilespmem:s18+$0x30];
	_ =	sdelay $0x2  }
0x170: {  	s28 =	simm.s32 $0x6  }
0x171: {  	s21 =	sand.u32 $0x7E, s28;
	[tilespmem:v17+s25+$0x0] =	vst.idx.msk $0xffff, v16  }
0x172: {  	s21 =	sor.u32 s21, s20;
	[tilespmem:v19+s25+$0x0] =	vst.idx.msk $0xffff, v18  }
0x173: {  	v17 =	vor.u32 s21, v12;
	v16 =	vld [tilespmem:s18+$0x40]  }
0x174: {  	v19 =	vor.u32 s21, v13;
	v18 =	vld [tilespmem:s18+$0x50];
	_ =	sdelay $0x2  }
0x175: {  	s29 =	simm.s32 $0x7  }
0x176: {  	s21 =	sand.u32 $0x7F, s29;
	[tilespmem:v17+s25+$0x0] =	vst.idx.msk $0xffff, v16  }
0x177: {  	s20 =	sor.u32 s21, s20;
	[tilespmem:v19+s25+$0x0] =	vst.idx.msk $0xffff, v18  }
0x178: {  	v18 =	vor.u32 s20, v14;
	v16 =	vld [tilespmem:s18+$0x60]  }
0x179: {  	v19 =	vor.u32 s20, v15;
	v17 =	vld [tilespmem:s18+$0x70]  }
.LBB2_13:
0x17a: {  	_ =	sdelay $0x1  }
0x17b: {  	s14 =	sadd.s32 $0x40, s14;
	s20 =	smov.u32 s15;
	s15 =	sadd.s32 $0x8, s15  }
0x17c: {  	s26 =	sand.u32 $0xC00, s14;
	s21 =	sand.u32 $0x78, s15;
	p0 =	slt.u32 s15, $0x1F8;
	[tilespmem:v18+s25+$0x0] =	vst.idx.msk $0xffff, v16  }
0x17d: {  	s18 =	sadd.s32 $0x100, s18;
	s21 =	sor.u32 s21, s26;
	[tilespmem:v19+s25+$0x0] =	vst.idx.msk $0xffff, v17  }
0x17e: {  	v17 =	vor.u32 s21, v0;
	v16 =	vld [tilespmem:s18+$0xFFFFFF80]  }
0x17f: {  	v19 =	vor.u32 s21, v1;
	v18 =	vld [tilespmem:s18+$0xFFFFFF90];
	_ =	sdelay $0x2  }
0x180: {  	s21 =	sadd.s32 $0x9, s20  }
0x181: {  	s21 =	sand.u32 $0x79, s21;
	[tilespmem:v17+s25+$0x0] =	vst.idx.msk $0xffff, v16  }
0x182: {  	s21 =	sor.u32 s21, s26;
	[tilespmem:v19+s25+$0x0] =	vst.idx.msk $0xffff, v18  }
0x183: {  	v17 =	vor.u32 s21, v2;
	v16 =	vld [tilespmem:s18+$0xFFFFFFA0]  }
0x184: {  	v19 =	vor.u32 s21, v3;
	v18 =	vld [tilespmem:s18+$0xFFFFFFB0];
	_ =	sdelay $0x2  }
0x185: {  	s21 =	sadd.s32 $0xA, s20  }
0x186: {  	s21 =	sand.u32 $0x7A, s21;
	[tilespmem:v17+s25+$0x0] =	vst.idx.msk $0xffff, v16  }
0x187: {  	s21 =	sor.u32 s21, s26;
	[tilespmem:v19+s25+$0x0] =	vst.idx.msk $0xffff, v18  }
0x188: {  	v17 =	vor.u32 s21, v4;
	v16 =	vld [tilespmem:s18+$0xFFFFFFC0]  }
0x189: {  	v19 =	vor.u32 s21, v5;
	v18 =	vld [tilespmem:s18+$0xFFFFFFD0];
	_ =	sdelay $0x2  }
0x18a: {  	s21 =	sadd.s32 $0xB, s20  }
0x18b: {  	s21 =	sand.u32 $0x7B, s21;
	[tilespmem:v17+s25+$0x0] =	vst.idx.msk $0xffff, v16  }
0x18c: {  	s21 =	sor.u32 s21, s26;
	[tilespmem:v19+s25+$0x0] =	vst.idx.msk $0xffff, v18  }
0x18d: {  	v17 =	vor.u32 s21, v6;
	v16 =	vld [tilespmem:s18+$0xFFFFFFE0]  }
0x18e: {  	v19 =	vor.u32 s21, v7;
	v18 =	vld [tilespmem:s18+$0xFFFFFFF0];
	_ =	sdelay $0x2  }
0x18f: {  	s21 =	sadd.s32 $0xC, s20  }
0x190: {  	s21 =	sand.u32 $0x7C, s21;
	[tilespmem:v17+s25+$0x0] =	vst.idx.msk $0xffff, v16  }
0x191: {  	s21 =	sor.u32 s21, s26;
	[tilespmem:v19+s25+$0x0] =	vst.idx.msk $0xffff, v18  }
0x192: {  	v17 =	vor.u32 s21, v8;
	v16 =	vld [tilespmem:s18+$0x0]  }
0x193: {  	v19 =	vor.u32 s21, v9;
	v18 =	vld [tilespmem:s18+$0x10];
	_ =	sdelay $0x2  }
0x194: {  	s21 =	sadd.s32 $0xD, s20  }
0x195: {  	s21 =	sand.u32 $0x7D, s21;
	[tilespmem:v17+s25+$0x0] =	vst.idx.msk $0xffff, v16  }
0x196: {  	s21 =	sor.u32 s21, s26;
	[tilespmem:v19+s25+$0x0] =	vst.idx.msk $0xffff, v18  }
0x197: {  	v17 =	vor.u32 s21, v10;
	v16 =	vld [tilespmem:s18+$0x20]  }
0x198: {  	v19 =	vor.u32 s21, v11;
	v18 =	vld [tilespmem:s18+$0x30];
	_ =	sdelay $0x2  }
0x199: {  	s21 =	sadd.s32 $0xE, s20  }
0x19a: {  	s21 =	sand.u32 $0x7E, s21;
	[tilespmem:v17+s25+$0x0] =	vst.idx.msk $0xffff, v16  }
0x19b: {  	s21 =	sor.u32 s21, s26;
	[tilespmem:v19+s25+$0x0] =	vst.idx.msk $0xffff, v18  }
0x19c: {  	v17 =	vor.u32 s21, v12;
	v16 =	vld [tilespmem:s18+$0x40]  }
0x19d: {  	v19 =	vor.u32 s21, v13;
	v18 =	vld [tilespmem:s18+$0x50];
	_ =	sdelay $0x2  }
.Ltmp8:
0x19e: {  	s20 =	sadd.s32 $0xF, s20;
	(pc) =	sbr.rel @p0 .LBB2_13-.Ltmp8, $4  }
0x19f: {  	s20 =	sand.u32 $0x7F, s20;
	[tilespmem:v17+s25+$0x0] =	vst.idx.msk $0xffff, v16  }
0x1a0: {  	s20 =	sor.u32 s20, s26;
	[tilespmem:v19+s25+$0x0] =	vst.idx.msk $0xffff, v18  }
0x1a1: {  	v18 =	vor.u32 s20, v14;
	v16 =	vld [tilespmem:s18+$0x60]  }
0x1a2: {  	v19 =	vor.u32 s20, v15;
	v17 =	vld [tilespmem:s18+$0x70]  }
0x1a3: {  	_ =	sdelay $0x3  }
0x1a4: {  	[tilespmem:v18+s25+$0x0] =	vst.idx.msk $0xffff, v16  }
0x1a5: {  	s14 =	rddreg [dreg:$0x4];
	[tilespmem:v19+s25+$0x0] =	vst.idx.msk $0xffff, v17  }
0x1a6: {  	[hbm4b:s14+s3] =	stream.linear.scatter [tilespmem:s25], [sflag:$0x4], $0x1000, $0x38;
	[tilespmem:$0x16400] =	vst v63  }
0x1a7: {  	s29 =	rddreg [dreg:$0x5];
	s15 =	simm.s32 $0x13400  }
0x1a8: {  	[hbm4b:s29+s3] =	stream.linear.scatter [tilespmem:s15], [sflag:$0x4], $0x1000, $0x38;
	[tilespmem:$0x16400] =	vst v63  }
0x1a9: {  	s18 =	simm.s32 $0x14400;
	s15 =	rddreg [dreg:$0x6]  }
0x1aa: {  	[hbm4b:s15+s3] =	stream.linear.scatter [tilespmem:s18], [sflag:$0x4], $0x1000, $0x38;
	[tilespmem:$0x16400] =	vst v63  }
0x1ab: {  	s20 =	rddreg [dreg:$0x7];
	s21 =	simm.s32 $0x15400;
	s26 =	simm.s32 $0x3  }
0x1ac: {  	[hbm4b:s20+s3] =	stream.linear.scatter [tilespmem:s21], [sflag:$0x4], $0x1000, $0x38;
	[tilespmem:$0x16400] =	vst v63  }
0x1ad: {  	_ =	swait.ge [sflag:s26], $0x4000  }
0x1ae: {  	[sflag:s26] =	ssyncset.done $0x0  }
0x1af: {  	[sflag:s26] =	ssyncadd.s32 $0xFFFFC000  }
0x1b0: {  	_ =	swait.ge [sflag:s24], $0x4000  }
0x1b1: {  	s28 =	rddreg [dreg:$0x9]  }
0x1b2: {  	s29 =	rddreg [dreg:$0x8];
	s15 =	sadd.s32 $0x1, s28  }
0x1b3: {  	p0 =	sne.s32 s15, s29  }
.Ltmp9:
0x1b4: {  	_ = 	snop;
	(pc) =	sbr.rel @p0 .LBB2_1-.Ltmp9, $3  }
0x1b5: {  	_ =	sdelay $0x1  }
0x1b6: {  	[sflag:s24] =	ssyncset.done $0x0  }
0x1b7: {  	[sflag:s24] =	ssyncadd.s32 $0xFFFFC000  }
0x1b8: {  	_ =	sfence.sel $0x180000  }
0x1b9: {  	[bflag:$0x0] =	sbarrier.arrive $0xFFFF  }
0x1ba: {  	_ =	strace $0x90000047  }
0x1bb: {  	s0 =	stileid.u32;
	[bflag:$0x2] =	sbarrier.arrive $0xFFFF  }
0x1bc: {  	p0 =	sne.s32 s0, $0x0;
	s0 =	rddreg [dreg:$0x2]  }
0x1bd: {  	s0 =	sadd.s32 @!p0 $0x100000, s0  }
0x1be: {  	[sflag:s0] =	ssyncadd.tile.s32 @!p0 $0x1;
	_ =	shalt  }
.Lfunc_end2:
_tile_overlayer_lowered:
.L_overlay_start_2:
0x1bf: {  	(tag) =	ssettag $0x2  }
0x1c0: {  	s0 =	rddreg [dreg:$0x0];
	s2 =	stileid.u32  }
0x1c1: {  	s1 =	rddreg [dreg:$0x1];
	p0 =	sne.s32 s2, $0x0  }
0x1c2: {  	s3 =	rddreg [dreg:$0x2];
	[bflag:$0x3] =	sbarrier.arrive $0xFFFF;
	s2 =	simm.s32 @!p0 $0x1C05  }
0x1c3: {  	[timem:s3], [sflag:s2] =	dma.local @!p0 [hbm:s0], s1  }
0x1c4: {  	s0 =	simm.s32 @!p0 $0x5  }
0x1c5: {  	_ =	swait.ge @!p0 [sflag:s0], s1  }
0x1c6: {  	s1 =	ssub.s32 @!p0 $0x0, s1;
	[sflag:s0] =	ssyncset.done @!p0 $0x0  }
0x1c7: {  	[sflag:s0] =	ssyncadd.s32 @!p0 s1  }
0x1c8: {  	[bflag:$0x3] =	sbarrier.arrive $0xFFFF  }
0x1c9: {  	_ =	shalt  }

</sc_bundles>
